<compile_context>
chip_gen: v7x
topology: tpu7x:2x2x1
jax: 0.10.2.dev20260603
libtpu: 0.0.44.dev20260713+nightly
codegen_flags: <defaults>
</compile_context>

<pallas_src>
import dataclasses
import functools

import jax
import jax.numpy as jnp
import numpy as np
from jax import lax
from jax.experimental import pallas as pl
from jax.experimental.pallas import tpu as pltpu
from jax.experimental.pallas import tpu_sc as plsc

_RES = 64
_NBINS = _RES * _RES
_B = 16
_N = 16384
_C = 128
_HALF = _N // 2
_HBINS = _NBINS // 2
_GCHUNK = 64


def _bin_body(pts_ref, r_ref, j_ref):
    x = pts_ref[:, 0, :]
    y = pts_ref[:, 1, :]
    z = pts_ref[:, 2, :]
    r = jnp.sqrt(x * x + y * y + z * z)
    t = np.pi / float(_RES)
    k = 2 * np.pi / float(_RES)
    inv_t = np.float32(1.0 / t)
    inv_k = np.float32(1.0 / k)
    u = jnp.clip(z / r, -1.0, 1.0)
    acos_u = jnp.arctan2(jnp.sqrt((1.0 - u) * (1.0 + u)), u)
    phi = jnp.round(acos_u * inv_t).astype(jnp.int32) % _RES
    th = jnp.arctan2(y, x)
    rho = jnp.where(y >= 0, jnp.round(th * inv_k),
                    jnp.round((th + 2 * np.pi) * inv_k))
    rho = rho.astype(jnp.int32) % _RES
    r_ref[...] = r
    j_ref[...] = rho * _RES + phi


def _sc_body(r_hbm, j_hbm, feat_hbm, rmin_hbm, gat_hbm,
             r_v, j_v, rep_v, rmin_v, widx_v, widx2_v, gbuf0, gbuf1, shf, shi,
             sem0, sem1):
    c = lax.axis_index("c")
    s = lax.axis_index("s")
    b = c * 8 + s // 2
    h = s % 2
    partner = s + 1 - 2 * h

    lane = lax.iota(jnp.int32, 16)
    lane_base = lane * _NBINS
    inf16 = jnp.full((16,), jnp.inf, jnp.float32)
    zero16 = jnp.zeros((16,), jnp.int32)

    pltpu.sync_copy(r_hbm.at[b, pl.ds(h * _HALF, _HALF)], r_v)
    pltpu.sync_copy(j_hbm.at[b, pl.ds(h * _HALF, _HALF)], j_v)

    @pl.loop(0, 16 * _NBINS, step=16)
    def _(i):
        rep_v[pl.ds(i, 16)] = inf16

    @pl.loop(0, _HALF, step=16)
    def _(i):
        jv = j_v[pl.ds(i, 16)]
        rv = r_v[pl.ds(i, 16)]
        addr = jv + lane_base
        cur = plsc.load_gather(rep_v, [addr])
        plsc.store_scatter(rep_v, [addr], jnp.minimum(cur, rv))

    @pl.loop(0, _NBINS, step=16)
    def _(v):
        acc = rep_v[pl.ds(v, 16)]
        for cpy in range(1, 16):
            acc = jnp.minimum(acc, rep_v[pl.ds(cpy * _NBINS + v, 16)])
        rmin_v[pl.ds(v, 16)] = acc

    pltpu.sync_copy(rmin_v, shf.at[s])
    plsc.subcore_barrier()
    pltpu.sync_copy(shf.at[partner], rep_v.at[pl.ds(0, _NBINS)])

    @pl.loop(0, _NBINS, step=16)
    def _(v):
        rmin_v[pl.ds(v, 16)] = jnp.minimum(rmin_v[pl.ds(v, 16)], rep_v[pl.ds(v, 16)])

    @pl.loop(0, _NBINS, step=16)
    def _(v):
        widx_v[pl.ds(v, 16)] = zero16

    @pl.loop(0, _HALF, step=16)
    def _(i):
        jv = j_v[pl.ds(i, 16)]
        rv = r_v[pl.ds(i, 16)]
        cur = plsc.load_gather(rmin_v, [jv])
        plsc.store_scatter(widx_v, [jv], lane + (h * _HALF + i), mask=rv == cur)

    pltpu.sync_copy(widx_v, shi.at[s])
    plsc.subcore_barrier()
    pltpu.sync_copy(shi.at[partner], widx2_v)

    @pl.loop(0, _NBINS, step=16)
    def _(v):
        widx_v[pl.ds(v, 16)] = jnp.maximum(widx_v[pl.ds(v, 16)], widx2_v[pl.ds(v, 16)])

    @pl.when(h == 0)
    def _():
        pltpu.sync_copy(rmin_v, rmin_hbm.at[b])

    bbase = h * _HBINS

    @pl.loop(0, _HBINS // _GCHUNK, step=2)
    def _(ci):
        idx0 = widx_v.at[pl.ds(bbase + ci * _GCHUNK, _GCHUNK)]
        idx1 = widx_v.at[pl.ds(bbase + (ci + 1) * _GCHUNK, _GCHUNK)]
        cp0 = pltpu.async_copy(feat_hbm.at[b].at[idx0], gbuf0, sem0)
        cp1 = pltpu.async_copy(feat_hbm.at[b].at[idx1], gbuf1, sem1)
        cp0.wait()
        pltpu.sync_copy(gbuf0, gat_hbm.at[b, pl.ds(bbase + ci * _GCHUNK, _GCHUNK)])
        cp1.wait()
        pltpu.sync_copy(gbuf1, gat_hbm.at[b, pl.ds(bbase + (ci + 1) * _GCHUNK, _GCHUNK)])


def _fin_body(g_ref, rmin_ref, feat_ref, dis_ref):
    g = g_ref[0]
    rm = rmin_ref[0]
    m = (rm < jnp.float32(1e30)).astype(jnp.float32)
    gt = jnp.transpose(g, (1, 0))
    feat_ref[...] = gt[None] * m[:, None, :]
    dis_ref[...] = jnp.where(rm < jnp.float32(1e30), rm, 0.0)[:, None, :]


def kernel(pts, feat):
    pts_t = jnp.transpose(pts, (0, 2, 1))

    r, j = pl.pallas_call(
        _bin_body,
        in_specs=[pl.BlockSpec((_B, 3, _N), lambda: (0, 0, 0))],
        out_specs=[pl.BlockSpec((_B, _N), lambda: (0, 0)),
                   pl.BlockSpec((_B, _N), lambda: (0, 0))],
        out_shape=[jax.ShapeDtypeStruct((_B, _N), jnp.float32),
                   jax.ShapeDtypeStruct((_B, _N), jnp.int32)],
    )(pts_t)

    cp = pltpu.CompilerParams()
    if "needs_layout_passes" in pltpu.CompilerParams.__dataclass_fields__:
        cp = dataclasses.replace(cp, needs_layout_passes=False)
    sc_kernel = functools.partial(
        pl.kernel,
        out_type=[jax.ShapeDtypeStruct((_B, _NBINS), jnp.float32),
                  jax.ShapeDtypeStruct((_B, _NBINS, _C), jnp.float32)],
        compiler_params=cp,
        mesh=plsc.VectorSubcoreMesh(core_axis_name="c", subcore_axis_name="s"),
        scratch_types=[
            pltpu.VMEM((_HALF,), jnp.float32),
            pltpu.VMEM((_HALF,), jnp.int32),
            pltpu.VMEM((16 * _NBINS,), jnp.float32),
            pltpu.VMEM((_NBINS,), jnp.float32),
            pltpu.VMEM((_NBINS,), jnp.int32),
            pltpu.VMEM((_NBINS,), jnp.int32),
            pltpu.VMEM((_GCHUNK, _C), jnp.float32),
            pltpu.VMEM((_GCHUNK, _C), jnp.float32),
            pltpu.VMEM_SHARED((16, _NBINS), jnp.float32),
            pltpu.VMEM_SHARED((16, _NBINS), jnp.int32),
            pltpu.SemaphoreType.DMA,
            pltpu.SemaphoreType.DMA,
        ],
    )(_sc_body)
    rmin, gat = sc_kernel(r, j, feat)

    feat_t, dis_t = pl.pallas_call(
        _fin_body,
        grid=(_B,),
        in_specs=[pl.BlockSpec((1, _NBINS, _C), lambda b: (b, 0, 0)),
                  pl.BlockSpec((1, 1, _NBINS), lambda b: (b, 0, 0))],
        out_specs=[pl.BlockSpec((1, _C, _NBINS), lambda b: (b, 0, 0)),
                   pl.BlockSpec((1, 1, _NBINS), lambda b: (b, 0, 0))],
        out_shape=[jax.ShapeDtypeStruct((_B, _C, _NBINS), jnp.float32),
                   jax.ShapeDtypeStruct((_B, 1, _NBINS), jnp.float32)],
    )(gat, rmin.reshape(_B, 1, _NBINS))

    dis_out = dis_t.reshape(_B, 1, _RES, _RES)
    feat_out = feat_t.reshape(_B, _C, _RES, _RES)
    return dis_out, feat_out

# --- scband reference (transcript-rebuilt; emitter-appended) ---
"""Pipeline reference for scband-feat2-smap-29128468202095 (READ-ONLY COPY).

The authoritative reference and input builder live on the scoring server;
editing this copy changes nothing except your own understanding.
"""

import jax, jax.numpy as jnp
import numpy as np

RES = 64

def setup_inputs(seed: int = 0) -> dict:
    key = jax.random.key(seed)
    k1, k2 = jax.random.split(key)
    pts = jax.random.normal(k1, (16, 16384, 3), dtype=jnp.float32)
    feat = jax.random.normal(k2, (16, 16384, 128), dtype=jnp.float32)
    return {"pts": pts, "feat": feat}


def _spherical_map(phi, rho, dis, feat, res):
    # phi, rho: int32 [B, N]; dis: float32 [B, N]; feat: float32 [B, N, C]
    # For each (batch, phi, rho) bin, keep the feature of the point with the
    # MINIMUM distance (nearest point); empty bins stay zero. Implemented by
    # sorting points by descending distance so the nearest point writes last
    # in the scatter-overwrite.
    B, N = phi.shape
    C = feat.shape[2]
    idx = phi * res + rho  # [B, N] flattened bin index
    order = jnp.argsort(-dis, axis=1)  # descending distance
    idx_s = jnp.take_along_axis(idx, order, axis=1)
    feat_s = jnp.take_along_axis(feat, order[:, :, None], axis=1)
    smap0 = jnp.zeros((B, res * res, C), dtype=feat.dtype)

    def per_batch(sm, i, f):
        return sm.at[i].set(f)

    smap = jax.vmap(per_batch)(smap0, idx_s, feat_s)
    return smap.reshape(B, res, res, C)


def reference(pts, feat):
    res = RES
    r = jnp.linalg.norm(pts, axis=2)  # [B, N]
    feat_full = jnp.concatenate([r[:, :, None], feat], axis=2)  # [B, N, 1+C]
    x = pts[:, :, 0]
    y = pts[:, :, 1]
    z = pts[:, :, 2]
    t = np.pi / float(res)
    k = 2 * np.pi / float(res)
    phi = jnp.round(jnp.arccos(jnp.clip(z / r, -1.0, 1.0)) / t).astype(jnp.int32) % res
    rho = jnp.arctan2(y, x)
    rho = jnp.where(y >= 0, jnp.round(rho / k), rho)
    rho = jnp.where(y < 0, jnp.round((rho + 2 * np.pi) / k), rho)
    rho = rho.astype(jnp.int32) % res
    smap = _spherical_map(phi, rho, r, feat_full, res)  # [B, res, res, 1+C]
    dis_smap = smap[:, :, :, 0:1]
    feat_smap = smap[:, :, :, 1:]
    dis_out = jnp.transpose(dis_smap, (0, 3, 2, 1))  # [B, 1, res, res]
    feat_out = jnp.transpose(feat_smap, (0, 3, 2, 1))  # [B, C, res, res]
    return dis_out, feat_out

if __name__ == "__main__":
    import jax
    _d = setup_inputs()
    print(jax.jit(kernel)(*tuple(_d.values())))

</pallas_src>

<mosaic_0001>
#map = affine_map<(d0, d1) -> (0, 0)>
#map1 = affine_map<(d0, d1) -> (0, 0, 0)>
module attributes {stable_mosaic.version = 14 : i64} {
  func.func @_sc_body(%arg0: i32, %arg1: i32, %arg2: memref<16x16384xf32, #tpu.memory_space<hbm>>, %arg3: memref<16x16384xi32, #tpu.memory_space<hbm>>, %arg4: memref<16x16384x128xf32, #tpu.memory_space<hbm>>, %arg5: memref<16x4096xf32, #tpu.memory_space<hbm>>, %arg6: memref<16x4096x128xf32, #tpu.memory_space<hbm>>, %arg7: memref<8192xf32, #tpu.memory_space<vmem>>, %arg8: memref<8192xi32, #tpu.memory_space<vmem>>, %arg9: memref<65536xf32, #tpu.memory_space<vmem>>, %arg10: memref<4096xf32, #tpu.memory_space<vmem>>, %arg11: memref<4096xi32, #tpu.memory_space<vmem>>, %arg12: memref<4096xi32, #tpu.memory_space<vmem>>, %arg13: memref<64x128xf32, #tpu.memory_space<vmem>>, %arg14: memref<64x128xf32, #tpu.memory_space<vmem>>, %arg15: memref<16x4096xf32, #tpu.memory_space<vmem_shared>>, %arg16: memref<16x4096xi32, #tpu.memory_space<vmem_shared>>, %arg17: memref<!tpu.dma_semaphore, #tpu.memory_space<semaphore_mem>>, %arg18: memref<!tpu.dma_semaphore, #tpu.memory_space<semaphore_mem>>) attributes {dimension_semantics = [#tpu.dimension_semantics<core_parallel>, #tpu.dimension_semantics<subcore_parallel>], iteration_bounds = array<i64: 2, 16>, scalar_prefetch = 0 : i64, scratch_operands = 12 : i64, tpu.core_type = #tpu.core_type<sc_vector_subcore>, window_params = [{transform_indices = #map}, {transform_indices = #map}, {transform_indices = #map1}, {transform_indices = #map}, {transform_indices = #map1}]} {
    %mul3A = arith.constant 8 : i32
    %mul3A_0 = arith.muli %arg0, %mul3A : i32
    %jit3A = arith.constant 2 : i32
    %div3A = arith.divsi %arg1, %jit3A : i32
    %sign3A = arith.constant 0 : i32
    %sign3A_1 = arith.cmpi sgt, %arg1, %sign3A : i32
    %sign3A_2 = arith.extui %sign3A_1 : i1 to i32
    %sign3A_3 = arith.constant 0 : i32
    %sign3A_4 = arith.cmpi slt, %arg1, %sign3A_3 : i32
    %sign3A_5 = arith.extui %sign3A_4 : i1 to i32
    %sign3A_6 = arith.subi %sign3A_2, %sign3A_5 : i32
    %sign3A_7 = arith.constant 0 : i32
    %sign3A_8 = arith.cmpi sgt, %jit3A, %sign3A_7 : i32
    %sign3A_9 = arith.extui %sign3A_8 : i1 to i32
    %sign3A_10 = arith.constant 0 : i32
    %sign3A_11 = arith.cmpi slt, %jit3A, %sign3A_10 : i32
    %sign3A_12 = arith.extui %sign3A_11 : i1 to i32
    %sign3A_13 = arith.subi %sign3A_9, %sign3A_12 : i32
    %ne3A = arith.cmpi ne, %sign3A_6, %sign3A_13 : i32
    %rem3A = arith.remsi %arg1, %jit3A : i32
    %ne3A_14 = arith.constant 0 : i32
    %ne3A_15 = arith.cmpi ne, %rem3A, %ne3A_14 : i32
    %and3A = arith.andi %ne3A, %ne3A_15 : i1
    %sub3A = arith.constant 1 : i32
    %sub3A_16 = arith.subi %div3A, %sub3A : i32
    %select_n3A = arith.select %and3A, %sub3A_16, %div3A : i32
    %add3A = arith.addi %mul3A_0, %select_n3A : i32
    %jit3A_17 = arith.constant 2 : i32
    %eq3A = arith.constant 0 : i32
    %eq3A_18 = arith.cmpi eq, %jit3A_17, %eq3A : i32
    %jit3A_19 = arith.constant 1 : i32
    %select_n3A_20 = arith.select %eq3A_18, %jit3A_19, %jit3A_17 : i32
    %rem3A_21 = arith.remsi %arg1, %select_n3A_20 : i32
    %ne3A_22 = arith.constant 0 : i32
    %ne3A_23 = arith.cmpi ne, %rem3A_21, %ne3A_22 : i32
    %lt3A = arith.constant 0 : i32
    %lt3A_24 = arith.cmpi slt, %rem3A_21, %lt3A : i32
    %lt3A_25 = arith.constant 0 : i32
    %lt3A_26 = arith.cmpi slt, %select_n3A_20, %lt3A_25 : i32
    %ne3A_27 = arith.xori %lt3A_24, %lt3A_26 : i1
    %and3A_28 = arith.andi %ne3A_27, %ne3A_23 : i1
    %add3A_29 = arith.addi %rem3A_21, %select_n3A_20 : i32
    %select_n3A_30 = arith.select %and3A_28, %add3A_29, %rem3A_21 : i32
    %add3A_31 = arith.constant 1 : i32
    %add3A_32 = arith.addi %arg1, %add3A_31 : i32
    %mul3A_33 = arith.constant 2 : i32
    %mul3A_34 = arith.muli %mul3A_33, %select_n3A_30 : i32
    %sub3A_35 = arith.subi %add3A_32, %mul3A_34 : i32
    %iota3A = tpu.iota {dimensions = array<i32: 0>} : vector<16xi32>
    %mul3A_36 = arith.constant 4096 : i32
    %mul3A_37 = vector.broadcast %mul3A_36 : i32 to vector<16xi32>
    %mul3A_38 = arith.muli %iota3A, %mul3A_37 : vector<16xi32>
    %broadcast_in_dim3A = arith.constant 0x7F800000 : f32
    %broadcast_in_dim3A_39 = vector.broadcast %broadcast_in_dim3A : f32 to vector<16xf32>
    %broadcast_in_dim3A_40 = arith.constant 0 : i32
    %broadcast_in_dim3A_41 = vector.broadcast %broadcast_in_dim3A_40 : i32 to vector<16xi32>
    %mul3A_42 = arith.constant 8192 : i32
    %mul3A_43 = arith.muli %select_n3A_30, %mul3A_42 : i32
    "tpu.region"() ({
      %run_scoped3A = tpu.sem_alloc : memref<!tpu.dma_semaphore, #tpu.memory_space<semaphore_mem>>
      %dma_start3A = tpu.memref_slice %arg2[%add3A, %mul3A_43] : memref<16x16384xf32, #tpu.memory_space<hbm>> -> memref<1x8192xf32, #tpu.memory_space<hbm>>
      %dma_start3A_91 = tpu.memref_squeeze %dma_start3A : memref<1x8192xf32, #tpu.memory_space<hbm>> -> memref<8192xf32, #tpu.memory_space<hbm>>
      %dma_start3A_92 = tpu.memref_slice %arg2[%add3A, %mul3A_43] : memref<16x16384xf32, #tpu.memory_space<hbm>> -> memref<1x8192xf32, #tpu.memory_space<hbm>>
      %dma_start3A_93 = tpu.memref_squeeze %dma_start3A_92 : memref<1x8192xf32, #tpu.memory_space<hbm>> -> memref<8192xf32, #tpu.memory_space<hbm>>
      tpu.enqueue_dma source(%dma_start3A_93 : memref<8192xf32, #tpu.memory_space<hbm>>) target(%arg7 : memref<8192xf32, #tpu.memory_space<vmem>>) target_semaphore(%run_scoped3A : memref<!tpu.dma_semaphore, #tpu.memory_space<semaphore_mem>>)
      %dma_wait3A = tpu.memref_slice %arg2[%add3A, %mul3A_43] : memref<16x16384xf32, #tpu.memory_space<hbm>> -> memref<1x8192xf32, #tpu.memory_space<hbm>>
      %dma_wait3A_94 = tpu.memref_squeeze %dma_wait3A : memref<1x8192xf32, #tpu.memory_space<hbm>> -> memref<8192xf32, #tpu.memory_space<hbm>>
      %dma_wait3A_95 = tpu.memref_slice %arg2[%add3A, %mul3A_43] : memref<16x16384xf32, #tpu.memory_space<hbm>> -> memref<1x8192xf32, #tpu.memory_space<hbm>>
      %dma_wait3A_96 = tpu.memref_squeeze %dma_wait3A_95 : memref<1x8192xf32, #tpu.memory_space<hbm>> -> memref<8192xf32, #tpu.memory_space<hbm>>
      tpu.wait_dma2 semaphore(%run_scoped3A : memref<!tpu.dma_semaphore, #tpu.memory_space<semaphore_mem>>) src(%dma_wait3A_96 : memref<8192xf32, #tpu.memory_space<hbm>>) dst(%arg7 : memref<8192xf32, #tpu.memory_space<vmem>>)
      tpu.yield
    }) : () -> ()
    %mul3A_44 = arith.constant 8192 : i32
    %mul3A_45 = arith.muli %select_n3A_30, %mul3A_44 : i32
    "tpu.region"() ({
      %run_scoped3A = tpu.sem_alloc : memref<!tpu.dma_semaphore, #tpu.memory_space<semaphore_mem>>
      %dma_start3A = tpu.memref_slice %arg3[%add3A, %mul3A_45] : memref<16x16384xi32, #tpu.memory_space<hbm>> -> memref<1x8192xi32, #tpu.memory_space<hbm>>
      %dma_start3A_91 = tpu.memref_squeeze %dma_start3A : memref<1x8192xi32, #tpu.memory_space<hbm>> -> memref<8192xi32, #tpu.memory_space<hbm>>
      %dma_start3A_92 = tpu.memref_slice %arg3[%add3A, %mul3A_45] : memref<16x16384xi32, #tpu.memory_space<hbm>> -> memref<1x8192xi32, #tpu.memory_space<hbm>>
      %dma_start3A_93 = tpu.memref_squeeze %dma_start3A_92 : memref<1x8192xi32, #tpu.memory_space<hbm>> -> memref<8192xi32, #tpu.memory_space<hbm>>
      tpu.enqueue_dma source(%dma_start3A_93 : memref<8192xi32, #tpu.memory_space<hbm>>) target(%arg8 : memref<8192xi32, #tpu.memory_space<vmem>>) target_semaphore(%run_scoped3A : memref<!tpu.dma_semaphore, #tpu.memory_space<semaphore_mem>>)
      %dma_wait3A = tpu.memref_slice %arg3[%add3A, %mul3A_45] : memref<16x16384xi32, #tpu.memory_space<hbm>> -> memref<1x8192xi32, #tpu.memory_space<hbm>>
      %dma_wait3A_94 = tpu.memref_squeeze %dma_wait3A : memref<1x8192xi32, #tpu.memory_space<hbm>> -> memref<8192xi32, #tpu.memory_space<hbm>>
      %dma_wait3A_95 = tpu.memref_slice %arg3[%add3A, %mul3A_45] : memref<16x16384xi32, #tpu.memory_space<hbm>> -> memref<1x8192xi32, #tpu.memory_space<hbm>>
      %dma_wait3A_96 = tpu.memref_squeeze %dma_wait3A_95 : memref<1x8192xi32, #tpu.memory_space<hbm>> -> memref<8192xi32, #tpu.memory_space<hbm>>
      tpu.wait_dma2 semaphore(%run_scoped3A : memref<!tpu.dma_semaphore, #tpu.memory_space<semaphore_mem>>) src(%dma_wait3A_96 : memref<8192xi32, #tpu.memory_space<hbm>>) dst(%arg8 : memref<8192xi32, #tpu.memory_space<vmem>>)
      tpu.yield
    }) : () -> ()
    %scan3A = arith.constant 0 : i32
    %scan3A_46 = arith.constant 4096 : i32
    %scan3A_47 = arith.addi %scan3A, %scan3A_46 : i32
    %scan3A_48 = arith.constant 1 : i32
    scf.for %scan3A_91 = %scan3A to %scan3A_47 step %scan3A_48  : i32 {
      %mul3A_92 = arith.constant 16 : i32
      %mul3A_93 = arith.muli %scan3A_91, %mul3A_92 : i32
      %add3A_94 = arith.constant 0 : i32
      %add3A_95 = arith.addi %add3A_94, %mul3A_93 : i32
      %swap3A = arith.index_cast %add3A_95 : i32 to index
      %swap3A_96 = tpu.vector_load %arg9[%swap3A] {strides = array<i32>} : memref<65536xf32, #tpu.memory_space<vmem>>, vector<16xf32>,
      tpu.vector_store %arg9[%swap3A], %broadcast_in_dim3A_39 {strides = array<i32>} : memref<65536xf32, #tpu.memory_space<vmem>>, vector<16xf32>,
    }
    %scan3A_49 = arith.constant 4096 : i32
    %scan3A_50 = arith.constant 0 : i32
    %scan3A_51 = arith.constant 512 : i32
    %scan3A_52 = arith.addi %scan3A_50, %scan3A_51 : i32
    %scan3A_53 = arith.constant 1 : i32
    scf.for %scan3A_91 = %scan3A_50 to %scan3A_52 step %scan3A_53  : i32 {
      %mul3A_92 = arith.constant 16 : i32
      %mul3A_93 = arith.muli %scan3A_91, %mul3A_92 : i32
      %add3A_94 = arith.constant 0 : i32
      %add3A_95 = arith.addi %add3A_94, %mul3A_93 : i32
      %get3A = arith.index_cast %add3A_95 : i32 to index
      %get3A_96 = tpu.vector_load %arg8[%get3A] {strides = array<i32>} : memref<8192xi32, #tpu.memory_space<vmem>>, vector<16xi32>,
      %get3A_97 = arith.index_cast %add3A_95 : i32 to index
      %get3A_98 = tpu.vector_load %arg7[%get3A_97] {strides = array<i32>} : memref<8192xf32, #tpu.memory_space<vmem>>, vector<16xf32>,
      %add3A_99 = arith.addi %get3A_96, %mul3A_38 : vector<16xi32>
      %gather3A = tpu.vector_load_idx %arg9[%add3A_99] : memref<65536xf32, #tpu.memory_space<vmem>>[vector<16xi32>], vector<16xf32>,
      %min3A = arith.minimumf %gather3A, %get3A_98 : vector<16xf32>
      tpu.vector_store_idx %arg9[%add3A_99], %min3A : memref<65536xf32, #tpu.memory_space<vmem>>[vector<16xi32>], vector<16xf32>,
    }
    %scan3A_54 = arith.constant 512 : i32
    %scan3A_55 = arith.constant 0 : i32
    %scan3A_56 = arith.constant 256 : i32
    %scan3A_57 = arith.addi %scan3A_55, %scan3A_56 : i32
    %scan3A_58 = arith.constant 1 : i32
    scf.for %scan3A_91 = %scan3A_55 to %scan3A_57 step %scan3A_58  : i32 {
      %mul3A_92 = arith.constant 16 : i32
      %mul3A_93 = arith.muli %scan3A_91, %mul3A_92 : i32
      %add3A_94 = arith.constant 0 : i32
      %add3A_95 = arith.addi %add3A_94, %mul3A_93 : i32
      %get3A = arith.index_cast %add3A_95 : i32 to index
      %get3A_96 = tpu.vector_load %arg9[%get3A] {strides = array<i32>} : memref<65536xf32, #tpu.memory_space<vmem>>, vector<16xf32>,
      %add3A_97 = arith.constant 4096 : i32
      %add3A_98 = arith.addi %add3A_97, %add3A_95 : i32
      %get3A_99 = arith.index_cast %add3A_98 : i32 to index
      %get3A_100 = tpu.vector_load %arg9[%get3A_99] {strides = array<i32>} : memref<65536xf32, #tpu.memory_space<vmem>>, vector<16xf32>,
      %min3A = arith.minimumf %get3A_96, %get3A_100 : vector<16xf32>
      %add3A_101 = arith.constant 8192 : i32
      %add3A_102 = arith.addi %add3A_101, %add3A_95 : i32
      %get3A_103 = arith.index_cast %add3A_102 : i32 to index
      %get3A_104 = tpu.vector_load %arg9[%get3A_103] {strides = array<i32>} : memref<65536xf32, #tpu.memory_space<vmem>>, vector<16xf32>,
      %min3A_105 = arith.minimumf %min3A, %get3A_104 : vector<16xf32>
      %add3A_106 = arith.constant 12288 : i32
      %add3A_107 = arith.addi %add3A_106, %add3A_95 : i32
      %get3A_108 = arith.index_cast %add3A_107 : i32 to index
      %get3A_109 = tpu.vector_load %arg9[%get3A_108] {strides = array<i32>} : memref<65536xf32, #tpu.memory_space<vmem>>, vector<16xf32>,
      %min3A_110 = arith.minimumf %min3A_105, %get3A_109 : vector<16xf32>
      %add3A_111 = arith.constant 16384 : i32
      %add3A_112 = arith.addi %add3A_111, %add3A_95 : i32
      %get3A_113 = arith.index_cast %add3A_112 : i32 to index
      %get3A_114 = tpu.vector_load %arg9[%get3A_113] {strides = array<i32>} : memref<65536xf32, #tpu.memory_space<vmem>>, vector<16xf32>,
      %min3A_115 = arith.minimumf %min3A_110, %get3A_114 : vector<16xf32>
      %add3A_116 = arith.constant 20480 : i32
      %add3A_117 = arith.addi %add3A_116, %add3A_95 : i32
      %get3A_118 = arith.index_cast %add3A_117 : i32 to index
      %get3A_119 = tpu.vector_load %arg9[%get3A_118] {strides = array<i32>} : memref<65536xf32, #tpu.memory_space<vmem>>, vector<16xf32>,
      %min3A_120 = arith.minimumf %min3A_115, %get3A_119 : vector<16xf32>
      %add3A_121 = arith.constant 24576 : i32
      %add3A_122 = arith.addi %add3A_121, %add3A_95 : i32
      %get3A_123 = arith.index_cast %add3A_122 : i32 to index
      %get3A_124 = tpu.vector_load %arg9[%get3A_123] {strides = array<i32>} : memref<65536xf32, #tpu.memory_space<vmem>>, vector<16xf32>,
      %min3A_125 = arith.minimumf %min3A_120, %get3A_124 : vector<16xf32>
      %add3A_126 = arith.constant 28672 : i32
      %add3A_127 = arith.addi %add3A_126, %add3A_95 : i32
      %get3A_128 = arith.index_cast %add3A_127 : i32 to index
      %get3A_129 = tpu.vector_load %arg9[%get3A_128] {strides = array<i32>} : memref<65536xf32, #tpu.memory_space<vmem>>, vector<16xf32>,
      %min3A_130 = arith.minimumf %min3A_125, %get3A_129 : vector<16xf32>
      %add3A_131 = arith.constant 32768 : i32
      %add3A_132 = arith.addi %add3A_131, %add3A_95 : i32
      %get3A_133 = arith.index_cast %add3A_132 : i32 to index
      %get3A_134 = tpu.vector_load %arg9[%get3A_133] {strides = array<i32>} : memref<65536xf32, #tpu.memory_space<vmem>>, vector<16xf32>,
      %min3A_135 = arith.minimumf %min3A_130, %get3A_134 : vector<16xf32>
      %add3A_136 = arith.constant 36864 : i32
      %add3A_137 = arith.addi %add3A_136, %add3A_95 : i32
      %get3A_138 = arith.index_cast %add3A_137 : i32 to index
      %get3A_139 = tpu.vector_load %arg9[%get3A_138] {strides = array<i32>} : memref<65536xf32, #tpu.memory_space<vmem>>, vector<16xf32>,
      %min3A_140 = arith.minimumf %min3A_135, %get3A_139 : vector<16xf32>
      %add3A_141 = arith.constant 40960 : i32
      %add3A_142 = arith.addi %add3A_141, %add3A_95 : i32
      %get3A_143 = arith.index_cast %add3A_142 : i32 to index
      %get3A_144 = tpu.vector_load %arg9[%get3A_143] {strides = array<i32>} : memref<65536xf32, #tpu.memory_space<vmem>>, vector<16xf32>,
      %min3A_145 = arith.minimumf %min3A_140, %get3A_144 : vector<16xf32>
      %add3A_146 = arith.constant 45056 : i32
      %add3A_147 = arith.addi %add3A_146, %add3A_95 : i32
      %get3A_148 = arith.index_cast %add3A_147 : i32 to index
      %get3A_149 = tpu.vector_load %arg9[%get3A_148] {strides = array<i32>} : memref<65536xf32, #tpu.memory_space<vmem>>, vector<16xf32>,
      %min3A_150 = arith.minimumf %min3A_145, %get3A_149 : vector<16xf32>
      %add3A_151 = arith.constant 49152 : i32
      %add3A_152 = arith.addi %add3A_151, %add3A_95 : i32
      %get3A_153 = arith.index_cast %add3A_152 : i32 to index
      %get3A_154 = tpu.vector_load %arg9[%get3A_153] {strides = array<i32>} : memref<65536xf32, #tpu.memory_space<vmem>>, vector<16xf32>,
      %min3A_155 = arith.minimumf %min3A_150, %get3A_154 : vector<16xf32>
      %add3A_156 = arith.constant 53248 : i32
      %add3A_157 = arith.addi %add3A_156, %add3A_95 : i32
      %get3A_158 = arith.index_cast %add3A_157 : i32 to index
      %get3A_159 = tpu.vector_load %arg9[%get3A_158] {strides = array<i32>} : memref<65536xf32, #tpu.memory_space<vmem>>, vector<16xf32>,
      %min3A_160 = arith.minimumf %min3A_155, %get3A_159 : vector<16xf32>
      %add3A_161 = arith.constant 57344 : i32
      %add3A_162 = arith.addi %add3A_161, %add3A_95 : i32
      %get3A_163 = arith.index_cast %add3A_162 : i32 to index
      %get3A_164 = tpu.vector_load %arg9[%get3A_163] {strides = array<i32>} : memref<65536xf32, #tpu.memory_space<vmem>>, vector<16xf32>,
      %min3A_165 = arith.minimumf %min3A_160, %get3A_164 : vector<16xf32>
      %add3A_166 = arith.constant 61440 : i32
      %add3A_167 = arith.addi %add3A_166, %add3A_95 : i32
      %get3A_168 = arith.index_cast %add3A_167 : i32 to index
      %get3A_169 = tpu.vector_load %arg9[%get3A_168] {strides = array<i32>} : memref<65536xf32, #tpu.memory_space<vmem>>, vector<16xf32>,
      %min3A_170 = arith.minimumf %min3A_165, %get3A_169 : vector<16xf32>
      %swap3A = arith.index_cast %add3A_95 : i32 to index
      %swap3A_171 = tpu.vector_load %arg10[%swap3A] {strides = array<i32>} : memref<4096xf32, #tpu.memory_space<vmem>>, vector<16xf32>,
      tpu.vector_store %arg10[%swap3A], %min3A_170 {strides = array<i32>} : memref<4096xf32, #tpu.memory_space<vmem>>, vector<16xf32>,
    }
    %scan3A_59 = arith.constant 256 : i32
    "tpu.region"() ({
      %run_scoped3A = tpu.sem_alloc : memref<!tpu.dma_semaphore, #tpu.memory_space<semaphore_mem>>
      %dma_start3A = arith.constant 0 : i32
      %dma_start3A_91 = tpu.memref_slice %arg15[%arg1, %dma_start3A] : memref<16x4096xf32, #tpu.memory_space<vmem_shared>> -> memref<1x4096xf32, #tpu.memory_space<vmem_shared>>
      %dma_start3A_92 = tpu.memref_squeeze %dma_start3A_91 : memref<1x4096xf32, #tpu.memory_space<vmem_shared>> -> memref<4096xf32, #tpu.memory_space<vmem_shared>>
      %dma_start3A_93 = arith.constant 0 : i32
      %dma_start3A_94 = tpu.memref_slice %arg15[%arg1, %dma_start3A_93] : memref<16x4096xf32, #tpu.memory_space<vmem_shared>> -> memref<1x4096xf32, #tpu.memory_space<vmem_shared>>
      %dma_start3A_95 = tpu.memref_squeeze %dma_start3A_94 : memref<1x4096xf32, #tpu.memory_space<vmem_shared>> -> memref<4096xf32, #tpu.memory_space<vmem_shared>>
      tpu.enqueue_dma source(%arg10 : memref<4096xf32, #tpu.memory_space<vmem>>) target(%dma_start3A_95 : memref<4096xf32, #tpu.memory_space<vmem_shared>>) target_semaphore(%run_scoped3A : memref<!tpu.dma_semaphore, #tpu.memory_space<semaphore_mem>>)
      %dma_wait3A = arith.constant 0 : i32
      %dma_wait3A_96 = tpu.memref_slice %arg15[%arg1, %dma_wait3A] : memref<16x4096xf32, #tpu.memory_space<vmem_shared>> -> memref<1x4096xf32, #tpu.memory_space<vmem_shared>>
      %dma_wait3A_97 = tpu.memref_squeeze %dma_wait3A_96 : memref<1x4096xf32, #tpu.memory_space<vmem_shared>> -> memref<4096xf32, #tpu.memory_space<vmem_shared>>
      %dma_wait3A_98 = arith.constant 0 : i32
      %dma_wait3A_99 = tpu.memref_slice %arg15[%arg1, %dma_wait3A_98] : memref<16x4096xf32, #tpu.memory_space<vmem_shared>> -> memref<1x4096xf32, #tpu.memory_space<vmem_shared>>
      %dma_wait3A_100 = tpu.memref_squeeze %dma_wait3A_99 : memref<1x4096xf32, #tpu.memory_space<vmem_shared>> -> memref<4096xf32, #tpu.memory_space<vmem_shared>>
      tpu.wait_dma2 semaphore(%run_scoped3A : memref<!tpu.dma_semaphore, #tpu.memory_space<semaphore_mem>>) src(%arg10 : memref<4096xf32, #tpu.memory_space<vmem>>) dst(%dma_wait3A_100 : memref<4096xf32, #tpu.memory_space<vmem_shared>>)
      tpu.yield
    }) : () -> ()
    %barrier3A = arith.constant 0 : index
    tpu.barrier barrier_id(%barrier3A)
    "tpu.region"() ({
      %run_scoped3A = tpu.sem_alloc : memref<!tpu.dma_semaphore, #tpu.memory_space<semaphore_mem>>
      %dma_start3A = arith.constant 0 : i32
      %dma_start3A_91 = tpu.memref_slice %arg9[%dma_start3A] : memref<65536xf32, #tpu.memory_space<vmem>> -> memref<4096xf32, #tpu.memory_space<vmem>>
      %dma_start3A_92 = arith.constant 0 : i32
      %dma_start3A_93 = tpu.memref_slice %arg15[%sub3A_35, %dma_start3A_92] : memref<16x4096xf32, #tpu.memory_space<vmem_shared>> -> memref<1x4096xf32, #tpu.memory_space<vmem_shared>>
      %dma_start3A_94 = tpu.memref_squeeze %dma_start3A_93 : memref<1x4096xf32, #tpu.memory_space<vmem_shared>> -> memref<4096xf32, #tpu.memory_space<vmem_shared>>
      %dma_start3A_95 = arith.constant 0 : i32
      %dma_start3A_96 = tpu.memref_slice %arg9[%dma_start3A_95] : memref<65536xf32, #tpu.memory_space<vmem>> -> memref<4096xf32, #tpu.memory_space<vmem>>
      %dma_start3A_97 = arith.constant 0 : i32
      %dma_start3A_98 = tpu.memref_slice %arg15[%sub3A_35, %dma_start3A_97] : memref<16x4096xf32, #tpu.memory_space<vmem_shared>> -> memref<1x4096xf32, #tpu.memory_space<vmem_shared>>
      %dma_start3A_99 = tpu.memref_squeeze %dma_start3A_98 : memref<1x4096xf32, #tpu.memory_space<vmem_shared>> -> memref<4096xf32, #tpu.memory_space<vmem_shared>>
      tpu.enqueue_dma source(%dma_start3A_99 : memref<4096xf32, #tpu.memory_space<vmem_shared>>) target(%dma_start3A_96 : memref<4096xf32, #tpu.memory_space<vmem>>) target_semaphore(%run_scoped3A : memref<!tpu.dma_semaphore, #tpu.memory_space<semaphore_mem>>)
      %dma_wait3A = arith.constant 0 : i32
      %dma_wait3A_100 = tpu.memref_slice %arg9[%dma_wait3A] : memref<65536xf32, #tpu.memory_space<vmem>> -> memref<4096xf32, #tpu.memory_space<vmem>>
      %dma_wait3A_101 = arith.constant 0 : i32
      %dma_wait3A_102 = tpu.memref_slice %arg15[%sub3A_35, %dma_wait3A_101] : memref<16x4096xf32, #tpu.memory_space<vmem_shared>> -> memref<1x4096xf32, #tpu.memory_space<vmem_shared>>
      %dma_wait3A_103 = tpu.memref_squeeze %dma_wait3A_102 : memref<1x4096xf32, #tpu.memory_space<vmem_shared>> -> memref<4096xf32, #tpu.memory_space<vmem_shared>>
      %dma_wait3A_104 = arith.constant 0 : i32
      %dma_wait3A_105 = tpu.memref_slice %arg9[%dma_wait3A_104] : memref<65536xf32, #tpu.memory_space<vmem>> -> memref<4096xf32, #tpu.memory_space<vmem>>
      %dma_wait3A_106 = arith.constant 0 : i32
      %dma_wait3A_107 = tpu.memref_slice %arg15[%sub3A_35, %dma_wait3A_106] : memref<16x4096xf32, #tpu.memory_space<vmem_shared>> -> memref<1x4096xf32, #tpu.memory_space<vmem_shared>>
      %dma_wait3A_108 = tpu.memref_squeeze %dma_wait3A_107 : memref<1x4096xf32, #tpu.memory_space<vmem_shared>> -> memref<4096xf32, #tpu.memory_space<vmem_shared>>
      tpu.wait_dma2 semaphore(%run_scoped3A : memref<!tpu.dma_semaphore, #tpu.memory_space<semaphore_mem>>) src(%dma_wait3A_108 : memref<4096xf32, #tpu.memory_space<vmem_shared>>) dst(%dma_wait3A_105 : memref<4096xf32, #tpu.memory_space<vmem>>)
      tpu.yield
    }) : () -> ()
    %scan3A_60 = arith.constant 0 : i32
    %scan3A_61 = arith.constant 256 : i32
    %scan3A_62 = arith.addi %scan3A_60, %scan3A_61 : i32
    %scan3A_63 = arith.constant 1 : i32
    scf.for %scan3A_91 = %scan3A_60 to %scan3A_62 step %scan3A_63  : i32 {
      %mul3A_92 = arith.constant 16 : i32
      %mul3A_93 = arith.muli %scan3A_91, %mul3A_92 : i32
      %add3A_94 = arith.constant 0 : i32
      %add3A_95 = arith.addi %add3A_94, %mul3A_93 : i32
      %get3A = arith.index_cast %add3A_95 : i32 to index
      %get3A_96 = tpu.vector_load %arg10[%get3A] {strides = array<i32>} : memref<4096xf32, #tpu.memory_space<vmem>>, vector<16xf32>,
      %get3A_97 = arith.index_cast %add3A_95 : i32 to index
      %get3A_98 = tpu.vector_load %arg9[%get3A_97] {strides = array<i32>} : memref<65536xf32, #tpu.memory_space<vmem>>, vector<16xf32>,
      %min3A = arith.minimumf %get3A_96, %get3A_98 : vector<16xf32>
      %swap3A = arith.index_cast %add3A_95 : i32 to index
      %swap3A_99 = tpu.vector_load %arg10[%swap3A] {strides = array<i32>} : memref<4096xf32, #tpu.memory_space<vmem>>, vector<16xf32>,
      tpu.vector_store %arg10[%swap3A], %min3A {strides = array<i32>} : memref<4096xf32, #tpu.memory_space<vmem>>, vector<16xf32>,
    }
    %scan3A_64 = arith.constant 256 : i32
    %scan3A_65 = arith.constant 0 : i32
    %scan3A_66 = arith.constant 256 : i32
    %scan3A_67 = arith.addi %scan3A_65, %scan3A_66 : i32
    %scan3A_68 = arith.constant 1 : i32
    scf.for %scan3A_91 = %scan3A_65 to %scan3A_67 step %scan3A_68  : i32 {
      %mul3A_92 = arith.constant 16 : i32
      %mul3A_93 = arith.muli %scan3A_91, %mul3A_92 : i32
      %add3A_94 = arith.constant 0 : i32
      %add3A_95 = arith.addi %add3A_94, %mul3A_93 : i32
      %swap3A = arith.index_cast %add3A_95 : i32 to index
      %swap3A_96 = tpu.vector_load %arg11[%swap3A] {strides = array<i32>} : memref<4096xi32, #tpu.memory_space<vmem>>, vector<16xi32>,
      tpu.vector_store %arg11[%swap3A], %broadcast_in_dim3A_41 {strides = array<i32>} : memref<4096xi32, #tpu.memory_space<vmem>>, vector<16xi32>,
    }
    %scan3A_69 = arith.constant 256 : i32
    %scan3A_70 = arith.constant 0 : i32
    %scan3A_71 = arith.constant 512 : i32
    %scan3A_72 = arith.addi %scan3A_70, %scan3A_71 : i32
    %scan3A_73 = arith.constant 1 : i32
    scf.for %scan3A_91 = %scan3A_70 to %scan3A_72 step %scan3A_73  : i32 {
      %mul3A_92 = arith.constant 16 : i32
      %mul3A_93 = arith.muli %scan3A_91, %mul3A_92 : i32
      %add3A_94 = arith.constant 0 : i32
      %add3A_95 = arith.addi %add3A_94, %mul3A_93 : i32
      %get3A = arith.index_cast %add3A_95 : i32 to index
      %get3A_96 = tpu.vector_load %arg8[%get3A] {strides = array<i32>} : memref<8192xi32, #tpu.memory_space<vmem>>, vector<16xi32>,
      %get3A_97 = arith.index_cast %add3A_95 : i32 to index
      %get3A_98 = tpu.vector_load %arg7[%get3A_97] {strides = array<i32>} : memref<8192xf32, #tpu.memory_space<vmem>>, vector<16xf32>,
      %gather3A = tpu.vector_load_idx %arg10[%get3A_96] : memref<4096xf32, #tpu.memory_space<vmem>>[vector<16xi32>], vector<16xf32>,
      %mul3A_99 = arith.constant 8192 : i32
      %mul3A_100 = arith.muli %select_n3A_30, %mul3A_99 : i32
      %add3A_101 = arith.addi %mul3A_100, %add3A_95 : i32
      %add3A_102 = vector.broadcast %add3A_101 : i32 to vector<16xi32>
      %add3A_103 = arith.addi %iota3A, %add3A_102 : vector<16xi32>
      %eq3A_104 = arith.cmpf oeq, %get3A_98, %gather3A : vector<16xf32>
      tpu.vector_store_idx %arg11[%get3A_96], %add3A_103 masked %eq3A_104 : memref<4096xi32, #tpu.memory_space<vmem>>[vector<16xi32>], vector<16xi32>, vector<16xi1>
    }
    %scan3A_74 = arith.constant 512 : i32
    "tpu.region"() ({
      %run_scoped3A = tpu.sem_alloc : memref<!tpu.dma_semaphore, #tpu.memory_space<semaphore_mem>>
      %dma_start3A = arith.constant 0 : i32
      %dma_start3A_91 = tpu.memref_slice %arg16[%arg1, %dma_start3A] : memref<16x4096xi32, #tpu.memory_space<vmem_shared>> -> memref<1x4096xi32, #tpu.memory_space<vmem_shared>>
      %dma_start3A_92 = tpu.memref_squeeze %dma_start3A_91 : memref<1x4096xi32, #tpu.memory_space<vmem_shared>> -> memref<4096xi32, #tpu.memory_space<vmem_shared>>
      %dma_start3A_93 = arith.constant 0 : i32
      %dma_start3A_94 = tpu.memref_slice %arg16[%arg1, %dma_start3A_93] : memref<16x4096xi32, #tpu.memory_space<vmem_shared>> -> memref<1x4096xi32, #tpu.memory_space<vmem_shared>>
      %dma_start3A_95 = tpu.memref_squeeze %dma_start3A_94 : memref<1x4096xi32, #tpu.memory_space<vmem_shared>> -> memref<4096xi32, #tpu.memory_space<vmem_shared>>
      tpu.enqueue_dma source(%arg11 : memref<4096xi32, #tpu.memory_space<vmem>>) target(%dma_start3A_95 : memref<4096xi32, #tpu.memory_space<vmem_shared>>) target_semaphore(%run_scoped3A : memref<!tpu.dma_semaphore, #tpu.memory_space<semaphore_mem>>)
      %dma_wait3A = arith.constant 0 : i32
      %dma_wait3A_96 = tpu.memref_slice %arg16[%arg1, %dma_wait3A] : memref<16x4096xi32, #tpu.memory_space<vmem_shared>> -> memref<1x4096xi32, #tpu.memory_space<vmem_shared>>
      %dma_wait3A_97 = tpu.memref_squeeze %dma_wait3A_96 : memref<1x4096xi32, #tpu.memory_space<vmem_shared>> -> memref<4096xi32, #tpu.memory_space<vmem_shared>>
      %dma_wait3A_98 = arith.constant 0 : i32
      %dma_wait3A_99 = tpu.memref_slice %arg16[%arg1, %dma_wait3A_98] : memref<16x4096xi32, #tpu.memory_space<vmem_shared>> -> memref<1x4096xi32, #tpu.memory_space<vmem_shared>>
      %dma_wait3A_100 = tpu.memref_squeeze %dma_wait3A_99 : memref<1x4096xi32, #tpu.memory_space<vmem_shared>> -> memref<4096xi32, #tpu.memory_space<vmem_shared>>
      tpu.wait_dma2 semaphore(%run_scoped3A : memref<!tpu.dma_semaphore, #tpu.memory_space<semaphore_mem>>) src(%arg11 : memref<4096xi32, #tpu.memory_space<vmem>>) dst(%dma_wait3A_100 : memref<4096xi32, #tpu.memory_space<vmem_shared>>)
      tpu.yield
    }) : () -> ()
    %barrier3A_75 = arith.constant 0 : index
    tpu.barrier barrier_id(%barrier3A_75)
    "tpu.region"() ({
      %run_scoped3A = tpu.sem_alloc : memref<!tpu.dma_semaphore, #tpu.memory_space<semaphore_mem>>
      %dma_start3A = arith.constant 0 : i32
      %dma_start3A_91 = tpu.memref_slice %arg16[%sub3A_35, %dma_start3A] : memref<16x4096xi32, #tpu.memory_space<vmem_shared>> -> memref<1x4096xi32, #tpu.memory_space<vmem_shared>>
      %dma_start3A_92 = tpu.memref_squeeze %dma_start3A_91 : memref<1x4096xi32, #tpu.memory_space<vmem_shared>> -> memref<4096xi32, #tpu.memory_space<vmem_shared>>
      %dma_start3A_93 = arith.constant 0 : i32
      %dma_start3A_94 = tpu.memref_slice %arg16[%sub3A_35, %dma_start3A_93] : memref<16x4096xi32, #tpu.memory_space<vmem_shared>> -> memref<1x4096xi32, #tpu.memory_space<vmem_shared>>
      %dma_start3A_95 = tpu.memref_squeeze %dma_start3A_94 : memref<1x4096xi32, #tpu.memory_space<vmem_shared>> -> memref<4096xi32, #tpu.memory_space<vmem_shared>>
      tpu.enqueue_dma source(%dma_start3A_95 : memref<4096xi32, #tpu.memory_space<vmem_shared>>) target(%arg12 : memref<4096xi32, #tpu.memory_space<vmem>>) target_semaphore(%run_scoped3A : memref<!tpu.dma_semaphore, #tpu.memory_space<semaphore_mem>>)
      %dma_wait3A = arith.constant 0 : i32
      %dma_wait3A_96 = tpu.memref_slice %arg16[%sub3A_35, %dma_wait3A] : memref<16x4096xi32, #tpu.memory_space<vmem_shared>> -> memref<1x4096xi32, #tpu.memory_space<vmem_shared>>
      %dma_wait3A_97 = tpu.memref_squeeze %dma_wait3A_96 : memref<1x4096xi32, #tpu.memory_space<vmem_shared>> -> memref<4096xi32, #tpu.memory_space<vmem_shared>>
      %dma_wait3A_98 = arith.constant 0 : i32
      %dma_wait3A_99 = tpu.memref_slice %arg16[%sub3A_35, %dma_wait3A_98] : memref<16x4096xi32, #tpu.memory_space<vmem_shared>> -> memref<1x4096xi32, #tpu.memory_space<vmem_shared>>
      %dma_wait3A_100 = tpu.memref_squeeze %dma_wait3A_99 : memref<1x4096xi32, #tpu.memory_space<vmem_shared>> -> memref<4096xi32, #tpu.memory_space<vmem_shared>>
      tpu.wait_dma2 semaphore(%run_scoped3A : memref<!tpu.dma_semaphore, #tpu.memory_space<semaphore_mem>>) src(%dma_wait3A_100 : memref<4096xi32, #tpu.memory_space<vmem_shared>>) dst(%arg12 : memref<4096xi32, #tpu.memory_space<vmem>>)
      tpu.yield
    }) : () -> ()
    %scan3A_76 = arith.constant 0 : i32
    %scan3A_77 = arith.constant 256 : i32
    %scan3A_78 = arith.addi %scan3A_76, %scan3A_77 : i32
    %scan3A_79 = arith.constant 1 : i32
    scf.for %scan3A_91 = %scan3A_76 to %scan3A_78 step %scan3A_79  : i32 {
      %mul3A_92 = arith.constant 16 : i32
      %mul3A_93 = arith.muli %scan3A_91, %mul3A_92 : i32
      %add3A_94 = arith.constant 0 : i32
      %add3A_95 = arith.addi %add3A_94, %mul3A_93 : i32
      %get3A = arith.index_cast %add3A_95 : i32 to index
      %get3A_96 = tpu.vector_load %arg11[%get3A] {strides = array<i32>} : memref<4096xi32, #tpu.memory_space<vmem>>, vector<16xi32>,
      %get3A_97 = arith.index_cast %add3A_95 : i32 to index
      %get3A_98 = tpu.vector_load %arg12[%get3A_97] {strides = array<i32>} : memref<4096xi32, #tpu.memory_space<vmem>>, vector<16xi32>,
      %max3A = arith.maxsi %get3A_96, %get3A_98 : vector<16xi32>
      %swap3A = arith.index_cast %add3A_95 : i32 to index
      %swap3A_99 = tpu.vector_load %arg11[%swap3A] {strides = array<i32>} : memref<4096xi32, #tpu.memory_space<vmem>>, vector<16xi32>,
      tpu.vector_store %arg11[%swap3A], %max3A {strides = array<i32>} : memref<4096xi32, #tpu.memory_space<vmem>>, vector<16xi32>,
    }
    %scan3A_80 = arith.constant 256 : i32
    %eq3A_81 = arith.constant 0 : i32
    %eq3A_82 = arith.cmpi eq, %select_n3A_30, %eq3A_81 : i32
    %convert_element_type3A = arith.extui %eq3A_82 : i1 to i32
    %cond3A = arith.constant 0 : i32
    %cond3A_83 = arith.cmpi ne, %convert_element_type3A, %cond3A : i32
    scf.if %cond3A_83 {
      "tpu.region"() ({
        %run_scoped3A = tpu.sem_alloc : memref<!tpu.dma_semaphore, #tpu.memory_space<semaphore_mem>>
        %dma_start3A = arith.constant 0 : i32
        %dma_start3A_91 = tpu.memref_slice %arg5[%add3A, %dma_start3A] : memref<16x4096xf32, #tpu.memory_space<hbm>> -> memref<1x4096xf32, #tpu.memory_space<hbm>>
        %dma_start3A_92 = tpu.memref_squeeze %dma_start3A_91 : memref<1x4096xf32, #tpu.memory_space<hbm>> -> memref<4096xf32, #tpu.memory_space<hbm>>
        %dma_start3A_93 = arith.constant 0 : i32
        %dma_start3A_94 = tpu.memref_slice %arg5[%add3A, %dma_start3A_93] : memref<16x4096xf32, #tpu.memory_space<hbm>> -> memref<1x4096xf32, #tpu.memory_space<hbm>>
        %dma_start3A_95 = tpu.memref_squeeze %dma_start3A_94 : memref<1x4096xf32, #tpu.memory_space<hbm>> -> memref<4096xf32, #tpu.memory_space<hbm>>
        tpu.enqueue_dma source(%arg10 : memref<4096xf32, #tpu.memory_space<vmem>>) target(%dma_start3A_95 : memref<4096xf32, #tpu.memory_space<hbm>>) target_semaphore(%run_scoped3A : memref<!tpu.dma_semaphore, #tpu.memory_space<semaphore_mem>>)
        %dma_wait3A = arith.constant 0 : i32
        %dma_wait3A_96 = tpu.memref_slice %arg5[%add3A, %dma_wait3A] : memref<16x4096xf32, #tpu.memory_space<hbm>> -> memref<1x4096xf32, #tpu.memory_space<hbm>>
        %dma_wait3A_97 = tpu.memref_squeeze %dma_wait3A_96 : memref<1x4096xf32, #tpu.memory_space<hbm>> -> memref<4096xf32, #tpu.memory_space<hbm>>
        %dma_wait3A_98 = arith.constant 0 : i32
        %dma_wait3A_99 = tpu.memref_slice %arg5[%add3A, %dma_wait3A_98] : memref<16x4096xf32, #tpu.memory_space<hbm>> -> memref<1x4096xf32, #tpu.memory_space<hbm>>
        %dma_wait3A_100 = tpu.memref_squeeze %dma_wait3A_99 : memref<1x4096xf32, #tpu.memory_space<hbm>> -> memref<4096xf32, #tpu.memory_space<hbm>>
        tpu.wait_dma2 semaphore(%run_scoped3A : memref<!tpu.dma_semaphore, #tpu.memory_space<semaphore_mem>>) src(%arg10 : memref<4096xf32, #tpu.memory_space<vmem>>) dst(%dma_wait3A_100 : memref<4096xf32, #tpu.memory_space<hbm>>)
        tpu.yield
      }) : () -> ()
    } else {
    }
    %mul3A_84 = arith.constant 2048 : i32
    %mul3A_85 = arith.muli %select_n3A_30, %mul3A_84 : i32
    %scan3A_86 = arith.constant 0 : i32
    %scan3A_87 = arith.constant 16 : i32
    %scan3A_88 = arith.addi %scan3A_86, %scan3A_87 : i32
    %scan3A_89 = arith.constant 1 : i32
    scf.for %scan3A_91 = %scan3A_86 to %scan3A_88 step %scan3A_89  : i32 {
      %mul3A_92 = arith.constant 2 : i32
      %mul3A_93 = arith.muli %scan3A_91, %mul3A_92 : i32
      %add3A_94 = arith.constant 0 : i32
      %add3A_95 = arith.addi %add3A_94, %mul3A_93 : i32
      %mul3A_96 = arith.constant 64 : i32
      %mul3A_97 = arith.muli %add3A_95, %mul3A_96 : i32
      %add3A_98 = arith.addi %mul3A_85, %mul3A_97 : i32
      %add3A_99 = arith.constant 1 : i32
      %add3A_100 = arith.addi %add3A_95, %add3A_99 : i32
      %mul3A_101 = arith.constant 64 : i32
      %mul3A_102 = arith.muli %add3A_100, %mul3A_101 : i32
      %add3A_103 = arith.addi %mul3A_85, %mul3A_102 : i32
      %dma_start3A = tpu.memref_slice %arg11[%add3A_98] : memref<4096xi32, #tpu.memory_space<vmem>> -> memref<64xi32, #tpu.memory_space<vmem>>
      %dma_start3A_104 = arith.constant 0 : i32
      %dma_start3A_105 = arith.constant 0 : i32
      %dma_start3A_106 = tpu.memref_slice %arg4[%add3A, %dma_start3A_104, %dma_start3A_105] : memref<16x16384x128xf32, #tpu.memory_space<hbm>> -> memref<1x16384x128xf32, #tpu.memory_space<hbm>>
      %dma_start3A_107 = tpu.memref_squeeze %dma_start3A_106 : memref<1x16384x128xf32, #tpu.memory_space<hbm>> -> memref<16384x128xf32, #tpu.memory_space<hbm>>
      %dma_start3A_108 = arith.constant 0 : i32
      %dma_start3A_109 = arith.constant 0 : i32
      %dma_start3A_110 = tpu.memref_slice %dma_start3A_107[%dma_start3A_108, %dma_start3A_109] : memref<16384x128xf32, #tpu.memory_space<hbm>> -> memref<16384x128xf32, #tpu.memory_space<hbm>>
      tpu.enqueue_indirect_dma source(%dma_start3A_110 : memref<16384x128xf32, #tpu.memory_space<hbm>>) target(%arg13 : memref<64x128xf32, #tpu.memory_space<vmem>>) offsets(%dma_start3A : memref<64xi32, #tpu.memory_space<vmem>>) semaphore(%arg17 : memref<!tpu.dma_semaphore, #tpu.memory_space<semaphore_mem>>)
      %dma_start3A_111 = tpu.memref_slice %arg11[%add3A_103] : memref<4096xi32, #tpu.memory_space<vmem>> -> memref<64xi32, #tpu.memory_space<vmem>>
      %dma_start3A_112 = arith.constant 0 : i32
      %dma_start3A_113 = arith.constant 0 : i32
      %dma_start3A_114 = tpu.memref_slice %arg4[%add3A, %dma_start3A_112, %dma_start3A_113] : memref<16x16384x128xf32, #tpu.memory_space<hbm>> -> memref<1x16384x128xf32, #tpu.memory_space<hbm>>
      %dma_start3A_115 = tpu.memref_squeeze %dma_start3A_114 : memref<1x16384x128xf32, #tpu.memory_space<hbm>> -> memref<16384x128xf32, #tpu.memory_space<hbm>>
      %dma_start3A_116 = arith.constant 0 : i32
      %dma_start3A_117 = arith.constant 0 : i32
      %dma_start3A_118 = tpu.memref_slice %dma_start3A_115[%dma_start3A_116, %dma_start3A_117] : memref<16384x128xf32, #tpu.memory_space<hbm>> -> memref<16384x128xf32, #tpu.memory_space<hbm>>
      tpu.enqueue_indirect_dma source(%dma_start3A_118 : memref<16384x128xf32, #tpu.memory_space<hbm>>) target(%arg14 : memref<64x128xf32, #tpu.memory_space<vmem>>) offsets(%dma_start3A_111 : memref<64xi32, #tpu.memory_space<vmem>>) semaphore(%arg18 : memref<!tpu.dma_semaphore, #tpu.memory_space<semaphore_mem>>)
      %dma_wait3A = tpu.memref_slice %arg11[%add3A_98] : memref<4096xi32, #tpu.memory_space<vmem>> -> memref<64xi32, #tpu.memory_space<vmem>>
      %dma_wait3A_119 = arith.constant 0 : i32
      %dma_wait3A_120 = arith.constant 0 : i32
      %dma_wait3A_121 = tpu.memref_slice %arg4[%add3A, %dma_wait3A_119, %dma_wait3A_120] : memref<16x16384x128xf32, #tpu.memory_space<hbm>> -> memref<1x16384x128xf32, #tpu.memory_space<hbm>>
      %dma_wait3A_122 = tpu.memref_squeeze %dma_wait3A_121 : memref<1x16384x128xf32, #tpu.memory_space<hbm>> -> memref<16384x128xf32, #tpu.memory_space<hbm>>
      %dma_wait3A_123 = arith.constant 0 : i32
      %dma_wait3A_124 = arith.constant 0 : i32
      %dma_wait3A_125 = tpu.memref_slice %dma_wait3A_122[%dma_wait3A_123, %dma_wait3A_124] : memref<16384x128xf32, #tpu.memory_space<hbm>> -> memref<16384x128xf32, #tpu.memory_space<hbm>>
      tpu.wait_indirect_dma semaphore(%arg17 : memref<!tpu.dma_semaphore, #tpu.memory_space<semaphore_mem>>) src(%dma_wait3A_125 : memref<16384x128xf32, #tpu.memory_space<hbm>>) dst(%arg13 : memref<64x128xf32, #tpu.memory_space<vmem>>)
      %mul3A_126 = arith.constant 64 : i32
      %mul3A_127 = arith.muli %add3A_95, %mul3A_126 : i32
      %add3A_128 = arith.addi %mul3A_85, %mul3A_127 : i32
      "tpu.region"() ({
        %run_scoped3A = tpu.sem_alloc : memref<!tpu.dma_semaphore, #tpu.memory_space<semaphore_mem>>
        %dma_start3A_142 = arith.constant 0 : i32
        %dma_start3A_143 = tpu.memref_slice %arg6[%add3A, %add3A_128, %dma_start3A_142] : memref<16x4096x128xf32, #tpu.memory_space<hbm>> -> memref<1x64x128xf32, #tpu.memory_space<hbm>>
        %dma_start3A_144 = tpu.memref_squeeze %dma_start3A_143 : memref<1x64x128xf32, #tpu.memory_space<hbm>> -> memref<64x128xf32, #tpu.memory_space<hbm>>
        %dma_start3A_145 = arith.constant 0 : i32
        %dma_start3A_146 = tpu.memref_slice %arg6[%add3A, %add3A_128, %dma_start3A_145] : memref<16x4096x128xf32, #tpu.memory_space<hbm>> -> memref<1x64x128xf32, #tpu.memory_space<hbm>>
        %dma_start3A_147 = tpu.memref_squeeze %dma_start3A_146 : memref<1x64x128xf32, #tpu.memory_space<hbm>> -> memref<64x128xf32, #tpu.memory_space<hbm>>
        tpu.enqueue_dma source(%arg13 : memref<64x128xf32, #tpu.memory_space<vmem>>) target(%dma_start3A_147 : memref<64x128xf32, #tpu.memory_space<hbm>>) target_semaphore(%run_scoped3A : memref<!tpu.dma_semaphore, #tpu.memory_space<semaphore_mem>>)
        %dma_wait3A_148 = arith.constant 0 : i32
        %dma_wait3A_149 = tpu.memref_slice %arg6[%add3A, %add3A_128, %dma_wait3A_148] : memref<16x4096x128xf32, #tpu.memory_space<hbm>> -> memref<1x64x128xf32, #tpu.memory_space<hbm>>
        %dma_wait3A_150 = tpu.memref_squeeze %dma_wait3A_149 : memref<1x64x128xf32, #tpu.memory_space<hbm>> -> memref<64x128xf32, #tpu.memory_space<hbm>>
        %dma_wait3A_151 = arith.constant 0 : i32
        %dma_wait3A_152 = tpu.memref_slice %arg6[%add3A, %add3A_128, %dma_wait3A_151] : memref<16x4096x128xf32, #tpu.memory_space<hbm>> -> memref<1x64x128xf32, #tpu.memory_space<hbm>>
        %dma_wait3A_153 = tpu.memref_squeeze %dma_wait3A_152 : memref<1x64x128xf32, #tpu.memory_space<hbm>> -> memref<64x128xf32, #tpu.memory_space<hbm>>
        tpu.wait_dma2 semaphore(%run_scoped3A : memref<!tpu.dma_semaphore, #tpu.memory_space<semaphore_mem>>) src(%arg13 : memref<64x128xf32, #tpu.memory_space<vmem>>) dst(%dma_wait3A_153 : memref<64x128xf32, #tpu.memory_space<hbm>>)
        tpu.yield
      }) : () -> ()
      %dma_wait3A_129 = tpu.memref_slice %arg11[%add3A_103] : memref<4096xi32, #tpu.memory_space<vmem>> -> memref<64xi32, #tpu.memory_space<vmem>>
      %dma_wait3A_130 = arith.constant 0 : i32
      %dma_wait3A_131 = arith.constant 0 : i32
      %dma_wait3A_132 = tpu.memref_slice %arg4[%add3A, %dma_wait3A_130, %dma_wait3A_131] : memref<16x16384x128xf32, #tpu.memory_space<hbm>> -> memref<1x16384x128xf32, #tpu.memory_space<hbm>>
      %dma_wait3A_133 = tpu.memref_squeeze %dma_wait3A_132 : memref<1x16384x128xf32, #tpu.memory_space<hbm>> -> memref<16384x128xf32, #tpu.memory_space<hbm>>
      %dma_wait3A_134 = arith.constant 0 : i32
      %dma_wait3A_135 = arith.constant 0 : i32
      %dma_wait3A_136 = tpu.memref_slice %dma_wait3A_133[%dma_wait3A_134, %dma_wait3A_135] : memref<16384x128xf32, #tpu.memory_space<hbm>> -> memref<16384x128xf32, #tpu.memory_space<hbm>>
      tpu.wait_indirect_dma semaphore(%arg18 : memref<!tpu.dma_semaphore, #tpu.memory_space<semaphore_mem>>) src(%dma_wait3A_136 : memref<16384x128xf32, #tpu.memory_space<hbm>>) dst(%arg14 : memref<64x128xf32, #tpu.memory_space<vmem>>)
      %add3A_137 = arith.constant 1 : i32
      %add3A_138 = arith.addi %add3A_95, %add3A_137 : i32
      %mul3A_139 = arith.constant 64 : i32
      %mul3A_140 = arith.muli %add3A_138, %mul3A_139 : i32
      %add3A_141 = arith.addi %mul3A_85, %mul3A_140 : i32
      "tpu.region"() ({
        %run_scoped3A = tpu.sem_alloc : memref<!tpu.dma_semaphore, #tpu.memory_space<semaphore_mem>>
        %dma_start3A_142 = arith.constant 0 : i32
        %dma_start3A_143 = tpu.memref_slice %arg6[%add3A, %add3A_141, %dma_start3A_142] : memref<16x4096x128xf32, #tpu.memory_space<hbm>> -> memref<1x64x128xf32, #tpu.memory_space<hbm>>
        %dma_start3A_144 = tpu.memref_squeeze %dma_start3A_143 : memref<1x64x128xf32, #tpu.memory_space<hbm>> -> memref<64x128xf32, #tpu.memory_space<hbm>>
        %dma_start3A_145 = arith.constant 0 : i32
        %dma_start3A_146 = tpu.memref_slice %arg6[%add3A, %add3A_141, %dma_start3A_145] : memref<16x4096x128xf32, #tpu.memory_space<hbm>> -> memref<1x64x128xf32, #tpu.memory_space<hbm>>
        %dma_start3A_147 = tpu.memref_squeeze %dma_start3A_146 : memref<1x64x128xf32, #tpu.memory_space<hbm>> -> memref<64x128xf32, #tpu.memory_space<hbm>>
        tpu.enqueue_dma source(%arg14 : memref<64x128xf32, #tpu.memory_space<vmem>>) target(%dma_start3A_147 : memref<64x128xf32, #tpu.memory_space<hbm>>) target_semaphore(%run_scoped3A : memref<!tpu.dma_semaphore, #tpu.memory_space<semaphore_mem>>)
        %dma_wait3A_148 = arith.constant 0 : i32
        %dma_wait3A_149 = tpu.memref_slice %arg6[%add3A, %add3A_141, %dma_wait3A_148] : memref<16x4096x128xf32, #tpu.memory_space<hbm>> -> memref<1x64x128xf32, #tpu.memory_space<hbm>>
        %dma_wait3A_150 = tpu.memref_squeeze %dma_wait3A_149 : memref<1x64x128xf32, #tpu.memory_space<hbm>> -> memref<64x128xf32, #tpu.memory_space<hbm>>
        %dma_wait3A_151 = arith.constant 0 : i32
        %dma_wait3A_152 = tpu.memref_slice %arg6[%add3A, %add3A_141, %dma_wait3A_151] : memref<16x4096x128xf32, #tpu.memory_space<hbm>> -> memref<1x64x128xf32, #tpu.memory_space<hbm>>
        %dma_wait3A_153 = tpu.memref_squeeze %dma_wait3A_152 : memref<1x64x128xf32, #tpu.memory_space<hbm>> -> memref<64x128xf32, #tpu.memory_space<hbm>>
        tpu.wait_dma2 semaphore(%run_scoped3A : memref<!tpu.dma_semaphore, #tpu.memory_space<semaphore_mem>>) src(%arg14 : memref<64x128xf32, #tpu.memory_space<vmem>>) dst(%dma_wait3A_153 : memref<64x128xf32, #tpu.memory_space<hbm>>)
        tpu.yield
      }) : () -> ()
    }
    %scan3A_90 = arith.constant 16 : i32
    return
  }
}

module attributes {stable_mosaic.version = 14 : i64} {
  func.func @_bin_body(%arg0: memref<16x3x16384xf32, #tpu.memory_space<vmem>>, %arg1: memref<16x16384xf32, #tpu.memory_space<vmem>>, %arg2: memref<16x16384xi32, #tpu.memory_space<vmem>>) attributes {dimension_semantics = [], scalar_prefetch = 0 : i64, scratch_operands = 0 : i64, tpu.core_type = #tpu.core_type<tc>} {
    %get3A = arith.constant 0 : index
    %get3A_0 = arith.constant 0 : index
    %get3A_1 = arith.constant 0 : index
    %get3A_2 = vector.load %arg0[%get3A, %get3A_0, %get3A_1] : memref<16x3x16384xf32, #tpu.memory_space<vmem>>, vector<16x1x16384xf32>
    %get3A_3 = vector.shape_cast %get3A_2 : vector<16x1x16384xf32> to vector<16x16384xf32>
    %get3A_4 = arith.constant 0 : index
    %get3A_5 = arith.constant 1 : index
    %get3A_6 = arith.constant 0 : index
    %get3A_7 = vector.load %arg0[%get3A_4, %get3A_5, %get3A_6] : memref<16x3x16384xf32, #tpu.memory_space<vmem>>, vector<16x1x16384xf32>
    %get3A_8 = vector.shape_cast %get3A_7 : vector<16x1x16384xf32> to vector<16x16384xf32>
    %get3A_9 = arith.constant 0 : index
    %get3A_10 = arith.constant 2 : index
    %get3A_11 = arith.constant 0 : index
    %get3A_12 = vector.load %arg0[%get3A_9, %get3A_10, %get3A_11] : memref<16x3x16384xf32, #tpu.memory_space<vmem>>, vector<16x1x16384xf32>
    %get3A_13 = vector.shape_cast %get3A_12 : vector<16x1x16384xf32> to vector<16x16384xf32>
    %mul3A = arith.mulf %get3A_3, %get3A_3 : vector<16x16384xf32>
    %mul3A_14 = arith.mulf %get3A_8, %get3A_8 : vector<16x16384xf32>
    %add3A = arith.addf %mul3A, %mul3A_14 : vector<16x16384xf32>
    %mul3A_15 = arith.mulf %get3A_13, %get3A_13 : vector<16x16384xf32>
    %add3A_16 = arith.addf %add3A, %mul3A_15 : vector<16x16384xf32>
    %sqrt3A = math.sqrt %add3A_16 : vector<16x16384xf32>
    %div3A = arith.divf %get3A_13, %sqrt3A : vector<16x16384xf32>
    %jit3A = arith.constant -1.000000e+00 : f32
    %jit3A_17 = arith.constant 1.000000e+00 : f32
    %max3A = vector.broadcast %jit3A : f32 to vector<16x16384xf32>
    %max3A_18 = arith.maximumf %max3A, %div3A : vector<16x16384xf32>
    %min3A = vector.broadcast %jit3A_17 : f32 to vector<16x16384xf32>
    %min3A_19 = arith.minimumf %min3A, %max3A_18 : vector<16x16384xf32>
    %sub3A = arith.constant 1.000000e+00 : f32
    %sub3A_20 = vector.broadcast %sub3A : f32 to vector<16x16384xf32>
    %sub3A_21 = arith.subf %sub3A_20, %min3A_19 : vector<16x16384xf32>
    %add3A_22 = arith.constant 1.000000e+00 : f32
    %add3A_23 = vector.broadcast %add3A_22 : f32 to vector<16x16384xf32>
    %add3A_24 = arith.addf %add3A_23, %min3A_19 : vector<16x16384xf32>
    %mul3A_25 = arith.mulf %sub3A_21, %add3A_24 : vector<16x16384xf32>
    %sqrt3A_26 = math.sqrt %mul3A_25 : vector<16x16384xf32>
    %atan23A = math.atan2 %sqrt3A_26, %min3A_19 : vector<16x16384xf32>
    %mul3A_27 = arith.constant 20.3718319 : f32
    %mul3A_28 = vector.broadcast %mul3A_27 : f32 to vector<16x16384xf32>
    %mul3A_29 = arith.mulf %atan23A, %mul3A_28 : vector<16x16384xf32>
    %round3A = math.roundeven %mul3A_29 : vector<16x16384xf32>
    %convert_element_type3A = arith.fptosi %round3A : vector<16x16384xf32> to vector<16x16384xi32>
    %jit3A_30 = arith.constant 64 : i32
    %eq3A = arith.constant 0 : i32
    %eq3A_31 = arith.cmpi eq, %jit3A_30, %eq3A : i32
    %jit3A_32 = arith.constant 1 : i32
    %select_n3A = arith.select %eq3A_31, %jit3A_32, %jit3A_30 : i32
    %rem3A = vector.broadcast %select_n3A : i32 to vector<16x16384xi32>
    %rem3A_33 = arith.remsi %convert_element_type3A, %rem3A : vector<16x16384xi32>
    %ne3A = arith.constant 0 : i32
    %ne3A_34 = vector.broadcast %ne3A : i32 to vector<16x16384xi32>
    %ne3A_35 = arith.cmpi ne, %rem3A_33, %ne3A_34 : vector<16x16384xi32>
    %lt3A = arith.constant 0 : i32
    %lt3A_36 = vector.broadcast %lt3A : i32 to vector<16x16384xi32>
    %lt3A_37 = arith.cmpi slt, %rem3A_33, %lt3A_36 : vector<16x16384xi32>
    %lt3A_38 = arith.constant 0 : i32
    %lt3A_39 = arith.cmpi slt, %select_n3A, %lt3A_38 : i32
    %ne3A_40 = vector.broadcast %lt3A_39 : i1 to vector<16x16384xi1>
    %ne3A_41 = vector.broadcast %ne3A_40 : vector<16x16384xi1> to vector<16x16384xi1>
    %ne3A_42 = arith.xori %lt3A_37, %ne3A_41 : vector<16x16384xi1>
    %and3A = arith.andi %ne3A_42, %ne3A_35 : vector<16x16384xi1>
    %add3A_43 = vector.broadcast %select_n3A : i32 to vector<16x16384xi32>
    %add3A_44 = arith.addi %rem3A_33, %add3A_43 : vector<16x16384xi32>
    %select_n3A_45 = arith.select %and3A, %add3A_44, %rem3A_33 : vector<16x16384xi1>, vector<16x16384xi32>
    %atan23A_46 = math.atan2 %get3A_8, %get3A_3 : vector<16x16384xf32>
    %ge3A = arith.constant 0.000000e+00 : f32
    %ge3A_47 = vector.broadcast %ge3A : f32 to vector<16x16384xf32>
    %ge3A_48 = arith.cmpf oge, %get3A_8, %ge3A_47 : vector<16x16384xf32>
    %mul3A_49 = arith.constant 10.1859159 : f32
    %mul3A_50 = vector.broadcast %mul3A_49 : f32 to vector<16x16384xf32>
    %mul3A_51 = arith.mulf %atan23A_46, %mul3A_50 : vector<16x16384xf32>
    %round3A_52 = math.roundeven %mul3A_51 : vector<16x16384xf32>
    %add3A_53 = arith.constant 6.28318548 : f32
    %add3A_54 = vector.broadcast %add3A_53 : f32 to vector<16x16384xf32>
    %add3A_55 = arith.addf %atan23A_46, %add3A_54 : vector<16x16384xf32>
    %mul3A_56 = arith.constant 10.1859159 : f32
    %mul3A_57 = vector.broadcast %mul3A_56 : f32 to vector<16x16384xf32>
    %mul3A_58 = arith.mulf %add3A_55, %mul3A_57 : vector<16x16384xf32>
    %round3A_59 = math.roundeven %mul3A_58 : vector<16x16384xf32>
    %select_n3A_60 = arith.select %ge3A_48, %round3A_52, %round3A_59 : vector<16x16384xi1>, vector<16x16384xf32>
    %convert_element_type3A_61 = arith.fptosi %select_n3A_60 : vector<16x16384xf32> to vector<16x16384xi32>
    %jit3A_62 = arith.constant 64 : i32
    %eq3A_63 = arith.constant 0 : i32
    %eq3A_64 = arith.cmpi eq, %jit3A_62, %eq3A_63 : i32
    %jit3A_65 = arith.constant 1 : i32
    %select_n3A_66 = arith.select %eq3A_64, %jit3A_65, %jit3A_62 : i32
    %rem3A_67 = vector.broadcast %select_n3A_66 : i32 to vector<16x16384xi32>
    %rem3A_68 = arith.remsi %convert_element_type3A_61, %rem3A_67 : vector<16x16384xi32>
    %ne3A_69 = arith.constant 0 : i32
    %ne3A_70 = vector.broadcast %ne3A_69 : i32 to vector<16x16384xi32>
    %ne3A_71 = arith.cmpi ne, %rem3A_68, %ne3A_70 : vector<16x16384xi32>
    %lt3A_72 = arith.constant 0 : i32
    %lt3A_73 = vector.broadcast %lt3A_72 : i32 to vector<16x16384xi32>
    %lt3A_74 = arith.cmpi slt, %rem3A_68, %lt3A_73 : vector<16x16384xi32>
    %lt3A_75 = arith.constant 0 : i32
    %lt3A_76 = arith.cmpi slt, %select_n3A_66, %lt3A_75 : i32
    %ne3A_77 = vector.broadcast %lt3A_76 : i1 to vector<16x16384xi1>
    %ne3A_78 = vector.broadcast %ne3A_77 : vector<16x16384xi1> to vector<16x16384xi1>
    %ne3A_79 = arith.xori %lt3A_74, %ne3A_78 : vector<16x16384xi1>
    %and3A_80 = arith.andi %ne3A_79, %ne3A_71 : vector<16x16384xi1>
    %add3A_81 = vector.broadcast %select_n3A_66 : i32 to vector<16x16384xi32>
    %add3A_82 = arith.addi %rem3A_68, %add3A_81 : vector<16x16384xi32>
    %select_n3A_83 = arith.select %and3A_80, %add3A_82, %rem3A_68 : vector<16x16384xi1>, vector<16x16384xi32>
    %swap3A = arith.constant 0 : index
    %swap3A_84 = arith.constant 0 : index
    %swap3A_85 = vector.load %arg1[%swap3A, %swap3A_84] : memref<16x16384xf32, #tpu.memory_space<vmem>>, vector<16x16384xf32>
    tpu.vector_store %arg1[%swap3A, %swap3A_84], %sqrt3A {strides = array<i32>} : memref<16x16384xf32, #tpu.memory_space<vmem>>, vector<16x16384xf32>,
    %mul3A_86 = arith.constant 64 : i32
    %mul3A_87 = vector.broadcast %mul3A_86 : i32 to vector<16x16384xi32>
    %mul3A_88 = arith.muli %select_n3A_83, %mul3A_87 : vector<16x16384xi32>
    %add3A_89 = arith.addi %mul3A_88, %select_n3A_45 : vector<16x16384xi32>
    %swap3A_90 = arith.constant 0 : index
    %swap3A_91 = arith.constant 0 : index
    %swap3A_92 = vector.load %arg2[%swap3A_90, %swap3A_91] : memref<16x16384xi32, #tpu.memory_space<vmem>>, vector<16x16384xi32>
    tpu.vector_store %arg2[%swap3A_90, %swap3A_91], %add3A_89 {strides = array<i32>} : memref<16x16384xi32, #tpu.memory_space<vmem>>, vector<16x16384xi32>,
    return
  }
}

module attributes {stable_mosaic.version = 14 : i64} {
  func.func @_fin_body(%arg0: i32, %arg1: memref<1x4096x128xf32, #tpu.memory_space<vmem>>, %arg2: memref<1x1x4096xf32, #tpu.memory_space<vmem>>, %arg3: memref<1x128x4096xf32, #tpu.memory_space<vmem>>, %arg4: memref<1x1x4096xf32, #tpu.memory_space<vmem>>) attributes {dimension_semantics = [#tpu.dimension_semantics<arbitrary>], iteration_bounds = array<i64: 16>, scalar_prefetch = 0 : i64, scratch_operands = 0 : i64, tpu.core_type = #tpu.core_type<tc>, window_params = [{transform_indices = @transform_0, window_bounds = array<i64: 1, 4096, 128>}, {transform_indices = @transform_1, window_bounds = array<i64: 1, 1, 4096>}, {transform_indices = @transform_2, window_bounds = array<i64: 1, 128, 4096>}, {transform_indices = @transform_3, window_bounds = array<i64: 1, 1, 4096>}]} {
    %get3A = arith.constant 0 : index
    %get3A_0 = arith.constant 0 : index
    %get3A_1 = arith.constant 0 : index
    %get3A_2 = vector.load %arg1[%get3A, %get3A_0, %get3A_1] : memref<1x4096x128xf32, #tpu.memory_space<vmem>>, vector<1x4096x128xf32>
    %get3A_3 = vector.shape_cast %get3A_2 : vector<1x4096x128xf32> to vector<4096x128xf32>
    %get3A_4 = arith.constant 0 : index
    %get3A_5 = arith.constant 0 : index
    %get3A_6 = arith.constant 0 : index
    %get3A_7 = vector.load %arg2[%get3A_4, %get3A_5, %get3A_6] : memref<1x1x4096xf32, #tpu.memory_space<vmem>>, vector<1x1x4096xf32>
    %get3A_8 = vector.shape_cast %get3A_7 : vector<1x1x4096xf32> to vector<1x4096xf32>
    %lt3A = arith.constant 1.000000e+30 : f32
    %lt3A_9 = vector.broadcast %lt3A : f32 to vector<1x4096xf32>
    %lt3A_10 = arith.cmpf olt, %get3A_8, %lt3A_9 : vector<1x4096xf32>
    %convert_element_type3A = arith.extui %lt3A_10 : vector<1x4096xi1> to vector<1x4096xi32>
    %convert_element_type3A_11 = arith.sitofp %convert_element_type3A : vector<1x4096xi32> to vector<1x4096xf32>
    %transpose3A = tpu.transpose %get3A_3, [1, 0] : vector<4096x128xf32> -> vector<128x4096xf32>
    %broadcast_in_dim3A = vector.shape_cast %transpose3A : vector<128x4096xf32> to vector<1x128x4096xf32>
    %broadcast_in_dim3A_12 = vector.shape_cast %convert_element_type3A_11 : vector<1x4096xf32> to vector<1x1x4096xf32>
    %mul3A = vector.broadcast %broadcast_in_dim3A_12 : vector<1x1x4096xf32> to vector<1x128x4096xf32>
    %mul3A_13 = arith.mulf %broadcast_in_dim3A, %mul3A : vector<1x128x4096xf32>
    %swap3A = arith.constant 0 : index
    %swap3A_14 = arith.constant 0 : index
    %swap3A_15 = arith.constant 0 : index
    %swap3A_16 = vector.load %arg3[%swap3A, %swap3A_14, %swap3A_15] : memref<1x128x4096xf32, #tpu.memory_space<vmem>>, vector<1x128x4096xf32>
    tpu.vector_store %arg3[%swap3A, %swap3A_14, %swap3A_15], %mul3A_13 {strides = array<i32>} : memref<1x128x4096xf32, #tpu.memory_space<vmem>>, vector<1x128x4096xf32>,
    %lt3A_17 = arith.constant 1.000000e+30 : f32
    %lt3A_18 = vector.broadcast %lt3A_17 : f32 to vector<1x4096xf32>
    %lt3A_19 = arith.cmpf olt, %get3A_8, %lt3A_18 : vector<1x4096xf32>
    %jit3A = arith.constant 0.000000e+00 : f32
    %broadcast_in_dim3A_20 = vector.broadcast %jit3A : f32 to vector<1x4096xf32>
    %select_n3A = arith.select %lt3A_19, %get3A_8, %broadcast_in_dim3A_20 : vector<1x4096xi1>, vector<1x4096xf32>
    %broadcast_in_dim3A_21 = vector.shape_cast %select_n3A : vector<1x4096xf32> to vector<1x1x4096xf32>
    %swap3A_22 = arith.constant 0 : index
    %swap3A_23 = arith.constant 0 : index
    %swap3A_24 = arith.constant 0 : index
    %swap3A_25 = vector.load %arg4[%swap3A_22, %swap3A_23, %swap3A_24] : memref<1x1x4096xf32, #tpu.memory_space<vmem>>, vector<1x1x4096xf32>
    tpu.vector_store %arg4[%swap3A_22, %swap3A_23, %swap3A_24], %broadcast_in_dim3A_21 {strides = array<i32>} : memref<1x1x4096xf32, #tpu.memory_space<vmem>>, vector<1x1x4096xf32>,
    return
  }
  func.func @transform_0(%arg0: i32) -> (i32, i32, i32) {
    %c0_i32 = arith.constant 0 : i32
    %c0_i32_0 = arith.constant 0 : i32
    %c0_i32_1 = arith.constant 0 : i32
    return %arg0, %c0_i32, %c0_i32_0 : i32, i32, i32
  }
  func.func @transform_1(%arg0: i32) -> (i32, i32, i32) {
    %c0_i32 = arith.constant 0 : i32
    %c0_i32_0 = arith.constant 0 : i32
    %c0_i32_1 = arith.constant 0 : i32
    return %arg0, %c0_i32, %c0_i32_0 : i32, i32, i32
  }
  func.func @transform_2(%arg0: i32) -> (i32, i32, i32) {
    %c0_i32 = arith.constant 0 : i32
    %c0_i32_0 = arith.constant 0 : i32
    %c0_i32_1 = arith.constant 0 : i32
    return %arg0, %c0_i32, %c0_i32_0 : i32, i32, i32
  }
  func.func @transform_3(%arg0: i32) -> (i32, i32, i32) {
    %c0_i32 = arith.constant 0 : i32
    %c0_i32_0 = arith.constant 0 : i32
    %c0_i32_1 = arith.constant 0 : i32
    return %arg0, %c0_i32, %c0_i32_0 : i32, i32, i32
  }
}

</mosaic_0001>

<sc_bundles>
// kernel: kernel.5.cloned.1.call-start
scs
__scs_entry_jumppad:
0x0: {  	(pc) =	sbr.rel $0x88, $3  }
0x1: {  	(tag) =	ssettag $0x0;
	lr =	simm.s32 $0x1  }
0x2: {  	[smem:$0x3F9F] =	sst lr;
	_ =	strace $0xD0000000  }
0x3: {  	_ = 	snop  }
0x4: {  	_ = 	snop  }
0x5: {  	_ = 	snop  }
0x6: {  	_ = 	snop  }
0x7: {  	_ = 	snop  }
__scs_overlays_trampoline_lowered:
0x8: {  	[smem:$0x3FAE] =	sst s0  }
0x9: {  	[smem:$0x3FAF] =	sst s1  }
0xa: {  	[smem:$0x3FB0] =	sst s2  }
0xb: {  	[smem:$0x3FB1] =	sst s3  }
0xc: {  	[smem:$0x3FB2] =	sst s4  }
0xd: {  	[smem:$0x3FB3] =	sst s5  }
0xe: {  	[smem:$0x3FB4] =	sst s6  }
0xf: {  	[smem:$0x3FB5] =	sst s7  }
0x10: {  	[smem:$0x3FB6] =	sst s8  }
0x11: {  	[smem:$0x3FB7] =	sst s9;
	s0 =	simm.s32 @!p0 $0x0  }
0x12: {  	s1 =	sld [smem:$0x3F9D];
	s0 =	simm.s32 @p0 $0x1  }
0x13: {  	[smem:$0x3FB8] =	sst s0;
	s0 =	simm.s32 @!p1 $0x0  }
0x14: {  	s2 =	sld [smem:$0x3F9C];
	s0 =	simm.s32 @p1 $0x1  }
0x15: {  	[smem:$0x3FB9] =	sst s0;
	s0 =	simm.s32 @!p2 $0x0  }
0x16: {  	s3 =	sld [smem:$0x3FDB];
	s0 =	simm.s32 @p2 $0x1  }
0x17: {  	s4 =	simm.s32 $0x1BF5;
	[smem:$0x3FBB] =	sst s0  }
0x18: {  	s0 =	sld [smem:$0x3F9E];
	_ =	swait.ge [sflag:s4], $0x0  }
0x19: {  	s7 =	sld [smem:$0x3F9F]  }
0x1a: {  	s8 =	sadd.s32 $0xFFFFE003, lr  }
0x1b: {  	s9 =	sadd.s32 $0xFFFFFEF7, lr;
	s5 =	simm.s32 $0xFFFFFFFF;
	p2 =	slt.u32 s8, $0xFFFFF086  }
0x1c: {  	p1 =	slt.u32 s9, $0xF7A;
	s5 =	simm.s32 @!p2 $0x0  }
0x1d: {  	s5 =	simm.s32 @p1 $0x1;
	p0 =	seq.s32 s7, s2  }
0x1e: {  	s7 =	smul.u32 @!p0 $0xF7A, s2;
	p2 =	seq.s32 @!p0 s5, $0x0  }
0x1f: {  	s9 =	smul.u32 $0xF7A, s1;
	s8 =	simm.s32 @!p0 $0x1BF5;
	p2 =	por !p2, p0  }
0x20: {  	[sflag:s8] =	ssyncset.s32 @!p0 $0xFFFFF086;
	s6 =	sadd.s32 @!p0 s3, s7;
	s7 =	simm.s32 @!p0 $0x108  }
0x21: {  	s3 =	sadd.s32 s3, s9;
	s6 =	sadd.s32 @!p0 $0x88, s6;
	s7 =	simm.s32 @p2 $0x1082  }
0x22: {  	[simem:s7], [sflag:s8] =	dma.local @!p0 [hbm:s6], $0xF7A  }
0x23: {  	s9 =	sor.u32 $0xD0000000, s2;
	s6 =	simm.s32 $0x108;
	_ =	swait.ge @!p0 [sflag:s8], $0x0  }
0x24: {  	s3 =	sadd.s32 $0x88, s3;
	s6 =	simm.s32 @!p1 $0x1082;
	[sflag:s4] =	ssyncset.s32 $0xFFFFF086  }
0x25: {  	[simem:s6], [sflag:s4] =	dma.local [hbm:s3], $0xF7A  }
0x26: {  	[smem:$0x3F9F] =	sst s1;
	(tag) =	ssettag s2;
	_ =	strace s9  }
0x27: {  	s1 =	sld [smem:$0x3FAF]  }
0x28: {  	s2 =	sld [smem:$0x3FB0]  }
0x29: {  	s4 =	sld [smem:$0x3FB2]  }
0x2a: {  	p0 =	seq.s32 s5, $0x0;
	s5 =	sld [smem:$0x3FB3]  }
0x2b: {  	s6 =	sld [smem:$0x3FB4]  }
0x2c: {  	s7 =	sld [smem:$0x3FB5]  }
0x2d: {  	s3 =	simm.s32 $0x108;
	s8 =	sld [smem:$0x3FB6]  }
0x2e: {  	s3 =	simm.s32 @!p0 $0x1082;
	s9 =	sld [smem:$0x3FB7]  }
0x2f: {  	lr =	sadd.s32 s0, s3;
	s0 =	sld [smem:$0x3FAE]  }
0x30: {  	s3 =	sld [smem:$0x3FB1]  }
0x31: {  	[smem:$0x3FBA] =	sst s10  }
0x32: {  	s10 =	sld [smem:$0x3FB8];
	_ =	sdelay $0x3  }
0x33: {  	p0 =	seq.s32 s10, $0x1;
	s10 =	sld [smem:$0x3FBA];
	_ =	sdelay $0x3  }
0x34: {  	[smem:$0x3FBA] =	sst s10  }
0x35: {  	s10 =	sld [smem:$0x3FB9];
	_ =	sdelay $0x3  }
0x36: {  	p1 =	seq.s32 s10, $0x1;
	s10 =	sld [smem:$0x3FBA];
	_ =	sdelay $0x3  }
0x37: {  	[smem:$0x3FBA] =	sst s10  }
0x38: {  	s10 =	sld [smem:$0x3FBB]  }
0x39: {  	_ = 	snop;
	(pc) =	sbr.ind lr, $3  }
0x3a: {  	_ = 	snop  }
0x3b: {  	_ = 	snop  }
0x3c: {  	p2 =	seq.s32 s10, $0x1;
	s10 =	sld [smem:$0x3FBA]  }
0x3d: {  	_ =	shalt  }
0x3e: {  	_ =	shalt  }
0x3f: {  	_ =	shalt  }
0x40: {  	_ =	shalt  }
0x41: {  	_ =	shalt  }
0x42: {  	_ =	shalt  }
0x43: {  	_ =	shalt  }
0x44: {  	_ =	shalt  }
0x45: {  	_ =	shalt  }
0x46: {  	_ =	shalt  }
0x47: {  	_ =	shalt  }
0x48: {  	_ =	shalt  }
0x49: {  	_ =	shalt  }
0x4a: {  	_ =	shalt  }
0x4b: {  	_ =	shalt  }
0x4c: {  	_ =	shalt  }
0x4d: {  	_ =	shalt  }
0x4e: {  	_ =	shalt  }
0x4f: {  	_ =	shalt  }
0x50: {  	_ =	shalt  }
0x51: {  	_ =	shalt  }
0x52: {  	_ =	shalt  }
0x53: {  	_ =	shalt  }
0x54: {  	_ =	shalt  }
0x55: {  	_ =	shalt  }
0x56: {  	_ =	shalt  }
0x57: {  	_ =	shalt  }
0x58: {  	_ =	shalt  }
0x59: {  	_ =	shalt  }
0x5a: {  	_ =	shalt  }
0x5b: {  	_ =	shalt  }
0x5c: {  	_ =	shalt  }
0x5d: {  	_ =	shalt  }
0x5e: {  	_ =	shalt  }
0x5f: {  	_ =	shalt  }
0x60: {  	_ =	shalt  }
0x61: {  	_ =	shalt  }
0x62: {  	_ =	shalt  }
0x63: {  	_ =	shalt  }
0x64: {  	_ =	shalt  }
0x65: {  	_ =	shalt  }
0x66: {  	_ =	shalt  }
0x67: {  	_ =	shalt  }
0x68: {  	_ =	shalt  }
0x69: {  	_ =	shalt  }
0x6a: {  	_ =	shalt  }
0x6b: {  	_ =	shalt  }
0x6c: {  	_ =	shalt  }
0x6d: {  	_ =	shalt  }
0x6e: {  	_ =	shalt  }
0x6f: {  	_ =	shalt  }
0x70: {  	_ =	shalt  }
0x71: {  	_ =	shalt  }
0x72: {  	_ =	shalt  }
0x73: {  	_ =	shalt  }
0x74: {  	_ =	shalt  }
0x75: {  	_ =	shalt  }
0x76: {  	_ =	shalt  }
0x77: {  	_ =	shalt  }
0x78: {  	_ =	shalt  }
0x79: {  	_ =	shalt  }
0x7a: {  	_ =	shalt  }
0x7b: {  	_ =	shalt  }
0x7c: {  	_ =	shalt  }
0x7d: {  	_ =	shalt  }
0x7e: {  	_ =	shalt  }
0x7f: {  	_ =	shalt  }
0x80: {  	_ =	shalt  }
0x81: {  	_ =	shalt  }
0x82: {  	_ =	shalt  }
0x83: {  	_ =	shalt  }
0x84: {  	_ =	shalt  }
0x85: {  	_ =	shalt  }
0x86: {  	_ =	shalt  }
0x87: {  	_ =	shalt  }
.Lfunc_end0:
.L_simem_size_0:
called_computation_lowered:
.L_overlay_start_0:
0x88: {  	s2 =	sld [smem:$0x3FD9]  }
0x89: {  	s3 =	sld [smem:$0x3FFE];
	_ =	sdelay $0x1  }
0x8a: {  	s1 =	srdreg.scid  }
0x8b: {  	s0 =	sand.u32 $0x1, s1  }
0x8c: {  	s14 =	sshll.u32 s0, $0xA;
	s2 =	sadd.s32 s3, s2  }
0x8d: {  	s2 =	sadd.s32 s2, s14  }
0x8e: {  	[smem:$0x3FC6] =	sst s2  }
0x8f: {  	_ = 	snop  }
0x90: {  	s2 =	sld [smem:$0x3FD0];
	_ =	sdelay $0x2  }
0x91: {  	s4 =	simm.s32 $0xA;
	s5 =	simm.s32 $0x10;
	s15 =	sld [smem:$0x3FC8]  }
0x92: {  	[smem:s5], [sflag:s4] =	dma.local [hbm:s2], $0x1  }
0x93: {  	_ =	swait.eq [sflag:s4], $0x1  }
0x94: {  	[sflag:s4] =	ssyncset.done $0x0  }
0x95: {  	s16 =	sld [smem:$0x10];
	[sflag:s4] =	ssyncadd.s32 $0xFFFFFFFF  }
0x96: {  	s17 =	sld [smem:$0x11];
	(tm) =	ssettm $0x1  }
0x97: {  	s18 =	sld [smem:$0x3FFB];
	_ =	sdelay $0x3  }
0x98: {  	_ =	strace s18  }
0x99: {  	s5 =	sld [smem:$0x3FFC];
	_ =	sdelay $0x3  }
0x9a: {  	_ =	strace s5  }
0x9b: {  	s5 =	sld [smem:$0x3FFD];
	_ =	sdelay $0x3  }
0x9c: {  	_ =	strace s5  }
0x9d: {  	_ =	strace $0x8FFFFFFF  }
0x9e: {  	s19 =	sld [smem:$0x3FDB];
	_ =	sdelay $0x1  }
0x9f: {  	s6 =	simm.s32 $_scs_section_size  }
0xa0: {  	s7 =	simm.s32 $_size__tile_overlayer_lowered;
	s8 =	simm.s32 $_tile_overlayer_lowered  }
0xa1: {  	s22 =	simm.s32 $0x1BFF;
	s21 =	sshll.u32 s8, $0x1;
	s5 =	sadd.s32 s6, s19  }
0xa2: {  	s9 =	simm.s32 $0x0;
	s20 =	sshll.u32 s7, $0x1;
	s7 =	sadd.s32 s21, s5  }
0xa3: {  	[timem:s9], [sflag:s22] =	dma.local [hbm:s7], s20  }
0xa4: {  	_ =	swait.ge [sflag:s22], s20  }
0xa5: {  	s6 =	ssub.s32 $0x0, s20;
	[sflag:s22] =	ssyncset.done $0x0  }
0xa6: {  	[sflag:s22] =	ssyncadd.s32 s6;
	_ =	sdelay $0x1  }
0xa7: {  	s23 =	simm.s32 $0x1B8B  }
0xa8: {  	_ =	swait.ge [sflag:s23], $0x1  }
0xa9: {  	[sflag:s23] =	ssyncset.done $0x0  }
0xaa: {  	s25 =	simm.s32 $0x1B8E;
	s24 =	sld [smem:$0x3FFE];
	[sflag:s23] =	ssyncadd.s32 $0xFFFFFFFF  }
0xab: {  	s26 =	simm.s32 $execute0_lowered;
	[smem:$0x3FD2] =	sst s25  }
0xac: {  	s7 =	sshll.u32 s26, $0x1;
	_ =	strace $0x80000046;
	[dreg:$0x1] =	wrdreg $0xFFFFFFFF  }
0xad: {  	s28 =	simm.s32 $_size_execute0_lowered;
	s5 =	sadd.s32 s5, s7;
	[dreg:$0x0] =	wrdreg $0x0  }
0xae: {  	s7 =	sshll.u32 s28, $0x1;
	[dreg:$0x2] =	wrdreg s5  }
0xaf: {  	[dreg:$0x3] =	wrdreg s7  }
0xb0: {  	[dreg:$0x4] =	wrdreg $0xC0  }
0xb1: {  	_ =	task [dreg:s9], $0x5FFFF  }
0xb2: {  	[dreg:$0x1] =	wrdreg $0xFFFFFFFF  }
0xb3: {  	[dreg:$0x0] =	wrdreg $0x60  }
0xb4: {  	[dreg:$0x2] =	wrdreg s24  }
0xb5: {  	[dreg:$0x3] =	wrdreg s15  }
0xb6: {  	[dreg:$0x4] =	wrdreg s16  }
0xb7: {  	[dreg:$0x5] =	wrdreg s17  }
0xb8: {  	[dreg:$0x6] =	wrdreg $0x1B0000  }
0xb9: {  	[dreg:$0x7] =	wrdreg $0x1C0000  }
0xba: {  	[dreg:$0x8] =	wrdreg $0x9  }
0xbb: {  	_ =	task.clear_ibuf [dreg:s9], $0x9FFFF;
	_ =	strace $0x90000046  }
0xbc: {  	s29 =	simm.s32 $0x9;
	_ =	strace $0x80000048  }
0xbd: {  	_ =	swait.ge [sflag:s29], $0x1  }
0xbe: {  	[sflag:s29] =	ssyncadd.s32 $0xFFFFFFFF  }
0xbf: {  	_ =	strace $0x90000048  }
0xc0: {  	_ =	sfence  }
0xc1: {  	s30 =	sld [smem:$0x0];
	_ =	sdelay $0x2  }
0xc2: {  	s31 =	sshll.u32 s1, $0xD;
	s1 =	sshrl.u32 s1, $0x2  }
0xc3: {  	s3 =	sand.u32 $0x4000, s31;
	s1 =	sadd.s32 s1, s30  }
0xc4: {  	s0 =	sor.u32 s3, s0;
	s1 =	sshll.u32 s1, $0x11  }
0xc5: {  	s0 =	sor.u32 s1, s0  }
0xc6: {  	s0 =	sadd.s32 $0x8F2B, s0  }
0xc7: {  	[sflag:s0] =	ssyncadd.remote.s32 $0x1  }
0xc8: {  	_ =	sfence.sel $0xFFFF  }
0xc9: {  	[dreg:$0x0] =	wrdreg $0xFFFFFFFF;
	(pc) =	sbr.abs _section_cstart, $3  }
0xca: {  	[dreg:$0x1] =	wrdreg $0xFFFFFFFF  }
0xcb: {  	_ =	task.clear_ibuf [dreg:s9], $0x2FFFF;
	_ =	strace $0x9FFFFFFF  }
0xcc: {  	(tm) =	ssettm $0x7FFFFFFF  }
0xcd: {  	_ =	shalt  }
tec
execute0_lowered:
.L_overlay_start_1:
0x0: {  	(tag) =	ssettag $0x1  }
0x1: {  	s0 =	rddreg [dreg:$0x0]  }
0x2: {  	s1 =	rddreg [dreg:$0x1]  }
0x3: {  	s10 =	rddreg [dreg:$0x2]  }
0x4: {  	s15 =	rddreg [dreg:$0x3]  }
0x5: {  	s7 =	rddreg [dreg:$0x4]  }
0x6: {  	s9 =	rddreg [dreg:$0x5]  }
0x7: {  	s3 =	srdreg.scid;
	s14 =	stileid.u32;
	s2 =	simm.s32 $0x0  }
0x8: {  	s28 =	simm.s32 $0x1;
	s29 =	simm.s32 $0x2;
	s30 =	simm.s32 $0x0  }
0x9: {  	s11 =	sand.u32 $0x1, s3;
	s19 =	sand.u32 $0x1, s14;
	s12 =	sshrl.u32 s14, $0x1  }
0xa: {  	[smem:$0x7FF] =	sst s2;
	s31 =	sshll.u32 s14, $0xC;
	s3 =	sshll.u32 s11, $0x11  }
0xb: {  	s4 =	sshll.u32 s19, $0x10;
	s8 =	sshll.u32 s12, $0x7;
	_ =	strace $0x80000047  }
0xc: {  	s25 =	ssub.s32 $0x2, s11;
	s5 =	sshll.u32 s19, $0x1;
	s17 =	sshll.u32 s11, $0xF  }
0xd: {  	s20 =	sshll.u32 s12, $0x12;
	s21 =	sshll.u32 s11, $0x16;
	s12 =	sshll.u32 s12, $0x13  }
0xe: {  	s11 =	sshll.u32 s11, $0x15;
	s22 =	sshll.u32 s19, $0x12;
	p0 =	sne.s32 s19, $0x0  }
0xf: {  	s3 =	sor.u32 s3, s4;
	s26 =	sshrl.u32 s25, $0x1;
	s5 =	ssub.s32 s14, s5  }
0x10: {  	s14 =	sshll.u32 s14, $0x7;
	s12 =	sor.u32 s12, s21;
	s23 =	sor.u32 s20, s11  }
0x11: {  	s20 =	simm.s32 $0x14000;
	s21 =	simm.s32 $0x4000;
	s3 =	sor.u32 s8, s3  }
0x12: {  	s13 =	ssub.s32 s25, s26;
	s6 =	sadd.s32 $0x1, s5;
	s24 =	sor.u32 s22, s12  }
0x13: {  	s11 =	sadd.s32 s1, s23;
	s22 =	simm.s32 $0x15000;
	s23 =	simm.s32 $0x16000  }
0x14: {  	s3 =	sshrl.u32 s3, $0x3;
	s16 =	sshll.u32 s6, $0xC;
	s6 =	sshll.u32 s6, $0x7  }
0x15: {  	s12 =	smax.u32 s13, $0x1;
	s25 =	sor.u32 $0x2000, s24;
	s26 =	sshrl.u32 s24, $0x3  }
0x16: {  	s24 =	simm.s32 $0x40;
	s0 =	sadd.s32 s3, s0;
	s3 =	sshll.u32 s19, $0xD  }
0x17: {  	s16 =	sand.u32 $0xFFFF8000, s16;
	s6 =	sand.u32 $0x380, s6;
	s13 =	sadd.s32 s26, s15  }
0x18: {  	s26 =	simm.s32 $0x19000;
	s4 =	sadd.s32 $0xC00, s0;
	s5 =	sadd.s32 $0x8C00, s0  }
0x19: {  	s0 =	sor.u32 s14, s31;
	s14 =	sor.u32 s6, s16;
	s16 =	sor.u32 s17, s8  }
0x1a: {  	s31 =	sshrl.u32 s3, $0x2;
	s17 =	simm.s32 $0x400;
	s0 =	sand.u32 $0x8380, s0  }
0x1b: {  	s18 =	sshrl.u32 s16, $0x3;
	s16 =	simm.s32 $0x80;
	s6 =	sadd.s32 s0, s7  }
0x1c: {  	s7 =	sadd.s32 s14, s7;
	s8 =	sadd.s32 s0, s9;
	s9 =	sadd.s32 s14, s9  }
0x1d: {  	v0 =	vlaneseq.u32;
	s10 =	sadd.s32 s10, s18;
	s0 =	sshrl.u32 s25, $0x3;
	s14 =	sor.u32 $0x15000, s31  }
0x1e: {  	v1 =	vimm.f32 $+Inf;
	v3 =	vimm.s32 $0x0;
	v2 =	vmul.u32 $0x1000, v0;
	s18 =	simm.s32 $0x3;
	s25 =	simm.s32 $0x17000;
	s15 =	sadd.s32 s0, s15  }
.LBB2_1:
0x1f: {  	[tilespmem:s2], [sflag:$0x3] =	stream.strided.gather [hbm4b:s4+s16], $0x2000, s17, s16, $0x38;
	[tilespmem:$0x1D000] =	vst v63  }
0x20: {  	_ =	swait.ge [sflag:s18], $0x2000  }
0x21: {  	[sflag:s18] =	ssyncset.done $0x0  }
0x22: {  	s0 =	simm.s32 $0x2000;
	[sflag:s18] =	ssyncadd.s32 $0xFFFFE000  }
0x23: {  	[tilespmem:s0], [sflag:$0x3] =	stream.strided.gather [hbm4b:s5+s16], $0x2000, s17, s16, $0x38;
	[tilespmem:$0x1D000] =	vst v63  }
0x24: {  	_ =	swait.ge [sflag:s18], $0x2000  }
0x25: {  	[sflag:s18] =	ssyncset.done $0x0  }
0x26: {  	s1 =	simm.s32 $0x0;
	s0 =	simm.s32 $0x40;
	[sflag:s18] =	ssyncadd.s32 $0xFFFFE000  }
.LBB2_2:
0x27: {  	p1 =	sne.s32 s0, $0x3FFC0;
	[tilespmem:s1+$0x4000] =	vst v1;
	s1 =	smov.u32 s0;
	s0 =	sadd.s32 $0x40, s0  }
.Ltmp0:
0x28: {  	(pc) =	sbr.rel @p1 .LBB2_2-.Ltmp0, $2  }
0x29: {  	_ =	sdelay $0x2  }
0x2a: {  	s1 =	sshra.s32 s1, $0x2  }
0x2b: {  	[tilespmem:s1+$0x4000] =	vst v1;
	s0 =	simm.s32 $0x0;
	s1 =	simm.s32 $0x0  }
.LBB2_4:
0x2c: {  	s19 =	sshra.s32 s1, $0x2  }
0x2d: {  	v4 =	vld [tilespmem:s19+$0x2000];
	_ =	sdelay $0x4  }
0x2e: {  	v4 =	vadd.s32 v2, v4;
	_ =	sdelay $0x3  }
0x2f: {  	v5 =	vld [tilespmem:s19+$0x0];
	s19 =	simm.s32 $0x4000  }
0x30: {  	v6 =	vld.idx.msk [tilespmem:v4+s19+$0x0], $0xffff  }
0x31: {  	p1 =	sne.s32 s1, $0x7FC0  }
.Ltmp1:
0x32: {  	_ = 	snop;
	(pc) =	sbr.rel @p1 .LBB2_4-.Ltmp1, $3  }
0x33: {  	_ =	sdelay $0x1  }
0x34: {  	v5 =	vmin.f32 v6, v5  }
0x35: {  	s1 =	sadd.s32 $0x40, s1;
	[tilespmem:v4+s19+$0x0] =	vst.idx.msk $0xffff, v5  }
0x36: {  	s0 =	sand.u32 $0xFF0, s0;
	v5 =	vld [tilespmem:s19+$0x0]  }
0x37: {  	v4 =	vld [tilespmem:s0+$0x5000]  }
0x38: {  	v6 =	vld [tilespmem:s0+$0x6000]  }
0x39: {  	v7 =	vld [tilespmem:s0+$0x7000]  }
0x3a: {  	v8 =	vld [tilespmem:s0+$0x8000]  }
0x3b: {  	v9 =	vld [tilespmem:s0+$0x9000]  }
0x3c: {  	v4 =	vmin.f32 v5, v4;
	v5 =	vld [tilespmem:s0+$0xA000]  }
0x3d: {  	v4 =	vmin.f32 v4, v6;
	v6 =	vld [tilespmem:s0+$0xB000]  }
0x3e: {  	v4 =	vmin.f32 v4, v7;
	v7 =	vld [tilespmem:s0+$0xC000]  }
0x3f: {  	v60 =	vld [tilespmem:s0+$0xD000];
	v4 =	vmin.f32 v4, v8  }
0x40: {  	v61 =	vld [tilespmem:s0+$0xE000];
	v4 =	vmin.f32 v4, v9  }
0x41: {  	v4 =	vmin.f32 v4, v5;
	v5 =	vld [tilespmem:s0+$0xF000]  }
0x42: {  	v4 =	vmin.f32 v4, v6;
	v6 =	vld [tilespmem:s0+$0x10000]  }
0x43: {  	v4 =	vmin.f32 v4, v7;
	v7 =	vld [tilespmem:s0+$0x11000]  }
0x44: {  	v62 =	vld [tilespmem:s0+$0x12000];
	v4 =	vmin.f32 v4, v60  }
0x45: {  	v63 =	vld [tilespmem:s0+$0x13000];
	v4 =	vmin.f32 v4, v61  }
0x46: {  	v4 =	vmin.f32 v4, v5  }
0x47: {  	v4 =	vmin.f32 v4, v6  }
0x48: {  	v4 =	vmin.f32 v4, v7  }
0x49: {  	v4 =	vmin.f32 v4, v62  }
0x4a: {  	s31 =	simm.s32 $0x14000;
	s19 =	simm.s32 $0x10;
	v4 =	vmin.f32 v4, v63  }
0x4b: {  	s0 =	sand.u32 $0xFF0, s19;
	[tilespmem:s31+$0x0] =	vst v4  }
0x4c: {  	s1 =	simm.s32 $0x4010;
	s19 =	simm.s32 $0x20;
	v4 =	vld [tilespmem:s0+$0x5000]  }
.LBB2_6:
0x4d: {  	p1 =	sne.s32 s19, $0xFF0;
	v5 =	vld [tilespmem:s1+$0x0]  }
0x4e: {  	v6 =	vld [tilespmem:s0+$0x6000]  }
0x4f: {  	v7 =	vld [tilespmem:s0+$0x7000]  }
0x50: {  	v8 =	vld [tilespmem:s0+$0x8000]  }
0x51: {  	v9 =	vld [tilespmem:s0+$0x9000]  }
0x52: {  	v4 =	vmin.f32 v5, v4;
	v5 =	vld [tilespmem:s0+$0xA000]  }
0x53: {  	v4 =	vmin.f32 v4, v6;
	v6 =	vld [tilespmem:s0+$0xB000]  }
0x54: {  	v4 =	vmin.f32 v4, v7;
	v7 =	vld [tilespmem:s0+$0xC000]  }
0x55: {  	v4 =	vmin.f32 v4, v8;
	v8 =	vld [tilespmem:s0+$0xD000]  }
0x56: {  	v4 =	vmin.f32 v4, v9;
	v9 =	vld [tilespmem:s0+$0xE000]  }
0x57: {  	v4 =	vmin.f32 v4, v5;
	v5 =	vld [tilespmem:s0+$0xF000]  }
0x58: {  	v4 =	vmin.f32 v4, v6;
	v6 =	vld [tilespmem:s0+$0x10000]  }
0x59: {  	v4 =	vmin.f32 v4, v7;
	v7 =	vld [tilespmem:s0+$0x11000]  }
0x5a: {  	v4 =	vmin.f32 v4, v8;
	v8 =	vld [tilespmem:s0+$0x12000]  }
0x5b: {  	v4 =	vmin.f32 v4, v9;
	v9 =	vld [tilespmem:s0+$0x13000]  }
0x5c: {  	v4 =	vmin.f32 v4, v5  }
0x5d: {  	v4 =	vmin.f32 v4, v6  }
.Ltmp2:
0x5e: {  	v4 =	vmin.f32 v4, v7;
	(pc) =	sbr.rel @p1 .LBB2_6-.Ltmp2, $4  }
0x5f: {  	v4 =	vmin.f32 v4, v8  }
0x60: {  	s31 =	sadd.s32 $0x10, s31;
	v4 =	vmin.f32 v4, v9  }
0x61: {  	s0 =	sand.u32 $0xFF0, s19;
	[tilespmem:s31+$0x0] =	vst v4  }
0x62: {  	s1 =	sadd.s32 $0x10, s1;
	s19 =	sadd.s32 $0x10, s19;
	v4 =	vld [tilespmem:s0+$0x5000]  }
0x63: {  	v5 =	vld [tilespmem:s1+$0x0]  }
0x64: {  	v6 =	vld [tilespmem:s0+$0x6000]  }
0x65: {  	v7 =	vld [tilespmem:s0+$0x7000]  }
0x66: {  	v8 =	vld [tilespmem:s0+$0x8000]  }
0x67: {  	v9 =	vld [tilespmem:s0+$0x9000]  }
0x68: {  	v4 =	vmin.f32 v5, v4;
	v5 =	vld [tilespmem:s0+$0xA000]  }
0x69: {  	v4 =	vmin.f32 v4, v6;
	v6 =	vld [tilespmem:s0+$0xB000]  }
0x6a: {  	v4 =	vmin.f32 v4, v7;
	v7 =	vld [tilespmem:s0+$0xC000]  }
0x6b: {  	v60 =	vld [tilespmem:s0+$0xD000];
	v4 =	vmin.f32 v4, v8  }
0x6c: {  	v61 =	vld [tilespmem:s0+$0xE000];
	v4 =	vmin.f32 v4, v9  }
0x6d: {  	v4 =	vmin.f32 v4, v5;
	v5 =	vld [tilespmem:s0+$0xF000]  }
0x6e: {  	v4 =	vmin.f32 v4, v6;
	v6 =	vld [tilespmem:s0+$0x10000]  }
0x6f: {  	v4 =	vmin.f32 v4, v7;
	v7 =	vld [tilespmem:s0+$0x11000]  }
0x70: {  	v62 =	vld [tilespmem:s0+$0x12000];
	v4 =	vmin.f32 v4, v60  }
0x71: {  	v63 =	vld [tilespmem:s0+$0x13000];
	v4 =	vmin.f32 v4, v61  }
0x72: {  	v4 =	vmin.f32 v4, v5  }
0x73: {  	v4 =	vmin.f32 v4, v6  }
0x74: {  	v4 =	vmin.f32 v4, v7  }
0x75: {  	v4 =	vmin.f32 v4, v62  }
0x76: {  	s31 =	sadd.s32 $0x10, s31;
	v4 =	vmin.f32 v4, v63  }
0x77: {  	[tilespmem:s31+$0x0] =	vst v4  }
0x78: {  	[spmem:s6] =	stream.strided.scatter [tilespmem:s20], [sflag:$0x3], $0x1000, s17, s16, $0x38;
	[tilespmem:$0x1D000] =	vst v63  }
0x79: {  	_ =	swait.ge [sflag:s18], $0x1000  }
0x7a: {  	[sflag:s18] =	ssyncset.done $0x0  }
0x7b: {  	[sflag:s18] =	ssyncadd.s32 $0xFFFFF000  }
0x7c: {  	[bflag:$0x0] =	sbarrier.arrive $0xFFFF  }
0x7d: {  	[tilespmem:s21], [sflag:$0x3] =	stream.strided.gather [spmem:s7], $0x1000, s17, s16, $0x38;
	[tilespmem:$0x1D000] =	vst v63  }
0x7e: {  	_ =	swait.ge [sflag:s18], $0x1000  }
0x7f: {  	[sflag:s18] =	ssyncset.done $0x0  }
0x80: {  	s1 =	simm.s32 $0x0;
	[sflag:s18] =	ssyncadd.s32 $0xFFFFF000  }
0x81: {  	s19 =	simm.s32 $0x40;
	s0 =	simm.s32 $0x0;
	v4 =	vld [tilespmem:s1+$0x4000]  }
.LBB2_8:
0x82: {  	p1 =	sne.s32 s19, $0x3FC0;
	v5 =	vld [tilespmem:s1+$0x14000];
	_ =	sdelay $0x1  }
.Ltmp3:
0x83: {  	(pc) =	sbr.rel @p1 .LBB2_8-.Ltmp3, $3  }
0x84: {  	_ =	sdelay $0x1  }
0x85: {  	s31 =	sshra.s32 s19, $0x2;
	v5 =	vmin.f32 v5, v4  }
0x86: {  	s19 =	sadd.s32 $0x40, s19;
	v4 =	vld [tilespmem:s31+$0x4000];
	[tilespmem:s1+$0x14000] =	vst v5;
	s1 =	smov.u32 s31  }
0x87: {  	v5 =	vld [tilespmem:s1+$0x14000];
	_ =	sdelay $0x4  }
0x88: {  	v4 =	vmin.f32 v5, v4  }
0x89: {  	[tilespmem:s1+$0x14000] =	vst v4  }
.LBB2_10:
0x8a: {  	p1 =	sne.s32 s0, $0x3FC0  }
.Ltmp4:
0x8b: {  	_ = 	snop;
	(pc) =	sbr.rel @p1 .LBB2_10-.Ltmp4, $3  }
0x8c: {  	_ =	sdelay $0x1  }
0x8d: {  	s1 =	sshra.s32 s0, $0x2  }
0x8e: {  	s0 =	sadd.s32 $0x40, s0;
	[tilespmem:s1+$0x15000] =	vst v3  }
0x8f: {  	s0 =	simm.s32 $0x0;
	s1 =	smov.u32 s3  }
.LBB2_12:
0x90: {  	s19 =	sshra.s32 s0, $0x2  }
0x91: {  	v4 =	vld [tilespmem:s19+$0x2000];
	_ =	sdelay $0x6  }
0x92: {  	v5 =	vld [tilespmem:s19+$0x0]  }
0x93: {  	v6 =	vld.idx.msk [tilespmem:v4+s20+$0x0], $0xffff;
	_ =	sdelay $0x4  }
0x94: {  	vm0 =	veq.f32 v5, v6  }
0x95: {  	p1 =	sne.s32 s0, $0x7FC0  }
.Ltmp5:
0x96: {  	_ = 	snop;
	(pc) =	sbr.rel @p1 .LBB2_12-.Ltmp5, $3  }
0x97: {  	_ =	sdelay $0x1  }
0x98: {  	v5 =	vor.u32 s1, v0  }
0x99: {  	s0 =	sadd.s32 $0x40, s0;
	s1 =	sadd.s32 $0x10, s1;
	[tilespmem:v4+s22+$0x0] =	vst.idx.msk vm0, v5  }
0x9a: {  	[spmem:s8] =	stream.strided.scatter [tilespmem:s22], [sflag:$0x3], $0x1000, s17, s16, $0x38;
	[tilespmem:$0x1D000] =	vst v63  }
0x9b: {  	_ =	swait.ge [sflag:s18], $0x1000  }
0x9c: {  	[sflag:s18] =	ssyncset.done $0x0  }
0x9d: {  	[sflag:s18] =	ssyncadd.s32 $0xFFFFF000  }
0x9e: {  	[bflag:$0x0] =	sbarrier.arrive $0xFFFF  }
0x9f: {  	[tilespmem:s23], [sflag:$0x3] =	stream.strided.gather [spmem:s9], $0x1000, s17, s16, $0x38;
	[tilespmem:$0x1D000] =	vst v63  }
0xa0: {  	_ =	swait.ge [sflag:s18], $0x1000  }
0xa1: {  	[sflag:s18] =	ssyncset.done $0x0  }
0xa2: {  	s0 =	simm.s32 $0x0;
	[sflag:s18] =	ssyncadd.s32 $0xFFFFF000  }
0xa3: {  	s1 =	simm.s32 $0x40;
	v4 =	vld [tilespmem:s0+$0x16000]  }
.LBB2_14:
0xa4: {  	p1 =	sne.s32 s1, $0x3FC0;
	v5 =	vld [tilespmem:s0+$0x15000];
	_ =	sdelay $0x2  }
.Ltmp6:
0xa5: {  	(pc) =	sbr.rel @p1 .LBB2_14-.Ltmp6, $4  }
0xa6: {  	_ = 	snop  }
0xa7: {  	vm0 =	vgt.s32 v5, v4  }
0xa8: {  	s19 =	sshra.s32 s1, $0x2;
	v5 =	vsel vm0, v5, v4  }
0xa9: {  	s1 =	sadd.s32 $0x40, s1;
	v4 =	vld [tilespmem:s19+$0x16000];
	[tilespmem:s0+$0x15000] =	vst v5;
	s0 =	smov.u32 s19  }
0xaa: {  	v5 =	vld [tilespmem:s0+$0x15000];
	_ =	sdelay $0x4  }
0xab: {  	vm0 =	vgt.s32 v5, v4  }
0xac: {  	v4 =	vsel vm0, v5, v4  }
0xad: {  	s1 =	simm.s32 @!p0 $0x400;
	s19 =	simm.s32 @!p0 $0x14000;
	[tilespmem:s0+$0x15000] =	vst v4;
	s0 =	simm.s32 @!p0 $0x80  }
0xae: {  	[hbm4b:s10+s0] =	stream.strided.scatter @!p0 [tilespmem:s19], [sflag:$0x3], $0x1000, s1, s0, $0x38;
	[tilespmem:$0x1D000] =	vst v63  }
0xaf: {  	s0 =	simm.s32 @!p0 $0x3  }
0xb0: {  	_ =	swait.ge @!p0 [sflag:s0], $0x1000  }
0xb1: {  	[sflag:s0] =	ssyncset.done @!p0 $0x0  }
0xb2: {  	[sflag:s0] =	ssyncadd.s32 @!p0 $0xFFFFF000  }
0xb3: {  	[tilespmem:s25], [sflag:$0x1] =	stream.indirect.gather [hbm4b:s11+s24], $0x80, s14, s24, $0xb8;
	[tilespmem:$0x1D000] =	vst v63  }
0xb4: {  	s1 =	sadd.s32 $0x40, s14  }
0xb5: {  	[tilespmem:s26], [sflag:$0x2] =	stream.indirect.gather [hbm4b:s11+s24], $0x80, s1, s24, $0xb8;
	[tilespmem:$0x1D000] =	vst v63  }
0xb6: {  	_ =	swait.ge [sflag:s28], $0x2000  }
0xb7: {  	[sflag:s28] =	ssyncset.done $0x0  }
0xb8: {  	s19 =	sadd.s32 $0x0, s13;
	[sflag:s28] =	ssyncadd.s32 $0xFFFFE000  }
0xb9: {  	[hbm4b:s19+s2] =	stream.linear.scatter [tilespmem:s25], [sflag:$0x3], $0x2000, $0x38;
	[tilespmem:$0x1D000] =	vst v63  }
0xba: {  	_ =	swait.ge [sflag:s18], $0x2000  }
0xbb: {  	[sflag:s18] =	ssyncset.done $0x0  }
0xbc: {  	[sflag:s18] =	ssyncadd.s32 $0xFFFFE000  }
0xbd: {  	_ =	swait.ge [sflag:s29], $0x2000  }
0xbe: {  	[sflag:s29] =	ssyncset.done $0x0  }
0xbf: {  	s31 =	sadd.s32 $0x0, s15;
	[sflag:s29] =	ssyncadd.s32 $0xFFFFE000  }
0xc0: {  	[hbm4b:s31+s2] =	stream.linear.scatter [tilespmem:s26], [sflag:$0x3], $0x2000, $0x38;
	[tilespmem:$0x1D000] =	vst v63  }
0xc1: {  	_ =	swait.ge [sflag:s18], $0x2000  }
0xc2: {  	s0 =	simm.s32 $0x800;
	s1 =	smov.u32 s14;
	[sflag:s18] =	ssyncset.done $0x0  }
.LBB2_16:
0xc3: {  	p1 =	sne.s32 s0, $0x7800;
	[sflag:s18] =	ssyncadd.s32 $0xFFFFE000;
	s1 =	sadd.s32 $0x80, s1  }
0xc4: {  	[tilespmem:s25], [sflag:$0x1] =	stream.indirect.gather [hbm4b:s11+s24], $0x80, s1, s24, $0xb8;
	[tilespmem:$0x1D000] =	vst v63  }
0xc5: {  	s31 =	smov.u32 s0;
	s0 =	sadd.s32 $0x800, s0;
	s19 =	sadd.s32 $0x40, s1  }
0xc6: {  	[tilespmem:s26], [sflag:$0x2] =	stream.indirect.gather [hbm4b:s11+s24], $0x80, s19, s24, $0xb8;
	[tilespmem:$0x1D000] =	vst v63  }
0xc7: {  	_ =	swait.ge [sflag:s28], $0x2000  }
0xc8: {  	[sflag:s28] =	ssyncset.done $0x0  }
0xc9: {  	s19 =	sadd.s32 s31, s13;
	[sflag:s28] =	ssyncadd.s32 $0xFFFFE000  }
0xca: {  	[hbm4b:s19+s2] =	stream.linear.scatter [tilespmem:s25], [sflag:$0x3], $0x2000, $0x38;
	[tilespmem:$0x1D000] =	vst v63  }
0xcb: {  	_ =	swait.ge [sflag:s18], $0x2000  }
0xcc: {  	[sflag:s18] =	ssyncset.done $0x0  }
0xcd: {  	[sflag:s18] =	ssyncadd.s32 $0xFFFFE000  }
0xce: {  	_ =	swait.ge [sflag:s29], $0x2000  }
.Ltmp7:
0xcf: {  	[sflag:s29] =	ssyncset.done $0x0;
	(pc) =	sbr.rel @p1 .LBB2_16-.Ltmp7, $4  }
0xd0: {  	s19 =	sadd.s32 s31, s15;
	[sflag:s29] =	ssyncadd.s32 $0xFFFFE000  }
0xd1: {  	[hbm4b:s19+s2] =	stream.linear.scatter [tilespmem:s26], [sflag:$0x3], $0x2000, $0x38;
	[tilespmem:$0x1D000] =	vst v63  }
0xd2: {  	_ =	swait.ge [sflag:s18], $0x2000  }
0xd3: {  	[sflag:s18] =	ssyncset.done $0x0  }
0xd4: {  	s30 =	sadd.s32 $0x1, s30  }
0xd5: {  	p1 =	sne.s32 s30, s12  }
.Ltmp8:
0xd6: {  	_ = 	snop;
	(pc) =	sbr.rel @p1 .LBB2_1-.Ltmp8, $2  }
0xd7: {  	_ =	sdelay $0x2  }
0xd8: {  	[sflag:s18] =	ssyncadd.s32 $0xFFFFE000  }
0xd9: {  	_ =	sfence.sel $0x180000  }
0xda: {  	[bflag:$0x0] =	sbarrier.arrive $0xFFFF  }
0xdb: {  	_ =	strace $0x90000047  }
0xdc: {  	s0 =	stileid.u32;
	[bflag:$0x2] =	sbarrier.arrive $0xFFFF  }
0xdd: {  	p0 =	sne.s32 s0, $0x0;
	s0 =	rddreg [dreg:$0x6]  }
0xde: {  	s0 =	sadd.s32 @!p0 $0x100000, s0  }
0xdf: {  	[sflag:s0] =	ssyncadd.tile.s32 @!p0 $0x1;
	_ =	shalt  }
.Lfunc_end2:
_tile_overlayer_lowered:
.L_overlay_start_2:
0xe0: {  	(tag) =	ssettag $0x2  }
0xe1: {  	s0 =	rddreg [dreg:$0x0];
	s2 =	stileid.u32  }
0xe2: {  	s1 =	rddreg [dreg:$0x1];
	p0 =	sne.s32 s2, $0x0  }
0xe3: {  	s3 =	rddreg [dreg:$0x2];
	[bflag:$0x3] =	sbarrier.arrive $0xFFFF;
	s2 =	simm.s32 @!p0 $0x1C03  }
0xe4: {  	[timem:s3], [sflag:s2] =	dma.local @!p0 [hbm:s0], s1  }
0xe5: {  	s0 =	simm.s32 @!p0 $0x3  }
0xe6: {  	_ =	swait.ge @!p0 [sflag:s0], s1  }
0xe7: {  	s1 =	ssub.s32 @!p0 $0x0, s1;
	[sflag:s0] =	ssyncset.done @!p0 $0x0  }
0xe8: {  	[sflag:s0] =	ssyncadd.s32 @!p0 s1  }
0xe9: {  	[bflag:$0x3] =	sbarrier.arrive $0xFFFF  }
0xea: {  	_ =	shalt  }

</sc_bundles>
